<compile_context>
chip_gen: v7x
topology: tpu7x:2x2x1
jax: 0.10.2.dev20260603
libtpu: 0.0.44.dev20260713+nightly
codegen_flags: <defaults>
</compile_context>

<pallas_src>
import jax
import jax.numpy as jnp
from jax import lax
from jax.experimental import pallas as pl
from jax.experimental.pallas import tpu as pltpu
from jax.experimental.pallas import tpu_sc as plsc

N = 10000
K = 10
NP = 10240
BI = 256
BJ = 512
L = 16
NC = 2
NS = 16
NW = NC * NS
NG = N // L
GPW = (NG + NW - 1) // NW
SLAB = 2048
NSLAB = 6
MASKD = 1e10


def _d_body(rmin, rmax, cmin, cmax, si, sj, sqi, sqj, bi, bj, out):
    i = pl.program_id(0)
    j = pl.program_id(1)
    overlap = jnp.logical_and(rmax[i] >= cmin[j], rmin[i] <= cmax[j])

    @pl.when(overlap)
    def _():
        cross = lax.dot_general(si[...], sj[...], (((1,), (1,)), ((), ())))
        d = sqi[...] + sqj[...] - 2.0 * cross
        d = jnp.maximum(d, 0.0)
        out[...] = jnp.where(bi[...] != bj[...], MASKD, d)


_d_kernel = pl.pallas_call(
    _d_body,
    out_shape=jax.ShapeDtypeStruct((NP, NP), jnp.float32),
    grid=(NP // BI, NP // BJ),
    in_specs=[
        pl.BlockSpec(memory_space=pltpu.SMEM),
        pl.BlockSpec(memory_space=pltpu.SMEM),
        pl.BlockSpec(memory_space=pltpu.SMEM),
        pl.BlockSpec(memory_space=pltpu.SMEM),
        pl.BlockSpec((BI, 2), lambda i, j: (i, 0)),
        pl.BlockSpec((BJ, 2), lambda i, j: (j, 0)),
        pl.BlockSpec((BI, 1), lambda i, j: (i, 0)),
        pl.BlockSpec((1, BJ), lambda i, j: (0, j)),
        pl.BlockSpec((BI, 1), lambda i, j: (i, 0)),
        pl.BlockSpec((1, BJ), lambda i, j: (0, j)),
    ],
    out_specs=pl.BlockSpec((BI, BJ), lambda i, j: (i, j)),
)


def _sc_body(d_h, h0_h, h1_h, h2_h, x0_h, x1_h, x2_h, lo_h, hi_h, w_h,
             out_h,
             h0, h1, h2, x0, x1, x2, lov, hiv, wv, dtile, otmp):
    cid = lax.axis_index("c")
    sid = lax.axis_index("s")
    wid = sid * NC + cid

    pltpu.sync_copy(h0_h, h0)
    pltpu.sync_copy(h1_h, h1)
    pltpu.sync_copy(h2_h, h2)
    pltpu.sync_copy(x0_h, x0)
    pltpu.sync_copy(x1_h, x1)
    pltpu.sync_copy(x2_h, x2)
    pltpu.sync_copy(lo_h, lov)
    pltpu.sync_copy(hi_h, hiv)
    pltpu.sync_copy(w_h, wv)

    def wrow(k):
        return wv[pl.ds(k * L, L)]

    wo1 = [wrow(i) for i in range(3)]
    wo2 = [wrow(3 + i) for i in range(6)]
    wb2 = wrow(9)
    rows = lax.iota(jnp.int32, L)

    def group_body(gi, _):
        g = wid + gi * NW

        @pl.when(g < NG)
        def _():
            base = g * L
            gv = jnp.full((L,), g, jnp.int32)
            lo = jnp.min(plsc.load_gather(lov, [gv]))
            hi = jnp.min(plsc.load_gather(hiv, [gv]))
            A = jnp.bitwise_and(lo, -128)

            init = tuple([jnp.full((L,), MASKD, jnp.float32)] * K
                         + [jnp.zeros((L,), jnp.int32)] * K)

            def slab_body(t, carry):
                s_un = A + t * SLAB
                sc = pl.multiple_of(jnp.minimum(s_un, NP - SLAB), 128)
                r_lo = jnp.maximum(lo, s_un)
                r_hi = jnp.minimum(hi, s_un + SLAB)

                def do(cr):
                    pltpu.sync_copy(
                        d_h.at[pl.ds(base, L), pl.ds(sc, SLAB)], dtile)

                    def cand(c, cr2):
                        col = jnp.full((L,), c, jnp.int32)
                        dcol = plsc.load_gather(dtile, [rows, col])
                        jv = col + sc

                        def insert(cr3):
                            cr3 = list(cr3)
                            v, iv = dcol, jv
                            for r in range(K):
                                tr, ir = cr3[r], cr3[K + r]
                                ltm = v < tr
                                cr3[r] = jnp.where(ltm, v, tr)
                                cr3[K + r] = jnp.where(ltm, iv, ir)
                                v = jnp.where(ltm, tr, v)
                                iv = jnp.where(ltm, ir, iv)
                            return tuple(cr3)

                        return lax.cond(jnp.any(dcol < cr2[K - 1]), insert,
                                        lambda c3: c3, cr2)

                    n = r_hi - r_lo
                    start = r_lo - sc

                    def cand2(t, cr2):
                        c = start + 2 * t
                        return cand(c + 1, cand(c, cr2))

                    cr = lax.fori_loop(0, n // 2, cand2, cr)
                    return lax.cond(
                        jnp.bitwise_and(n, 1) == 1,
                        lambda c2: cand(r_hi - sc - 1, c2),
                        lambda c2: c2, cr)

                return lax.cond(r_lo < r_hi, do, lambda cr: cr, carry)

            res = lax.fori_loop(0, NSLAB, slab_body, init)

            sm0 = sm1 = sm2 = jnp.zeros((L,), jnp.float32)
            mx0 = mx1 = mx2 = None
            for r in range(K):
                wgt = jnp.exp(-10.0 * res[r])
                ir = res[K + r]
                m0 = plsc.load_gather(h0, [ir]) * wgt
                m1 = plsc.load_gather(h1, [ir]) * wgt
                m2 = plsc.load_gather(h2, [ir]) * wgt
                sm0, sm1, sm2 = sm0 + m0, sm1 + m1, sm2 + m2
                if r == 0:
                    mx0, mx1, mx2 = m0, m1, m2
                else:
                    mx0 = jnp.maximum(mx0, m0)
                    mx1 = jnp.maximum(mx1, m1)
                    mx2 = jnp.maximum(mx2, m2)

            dsl = pl.ds(base, L)
            inv_k = 1.0 / K
            o = (x0[dsl] * wo1[0] + x1[dsl] * wo1[1] + x2[dsl] * wo1[2]
                 + sm0 * inv_k * wo2[0] + sm1 * inv_k * wo2[1]
                 + sm2 * inv_k * wo2[2]
                 + mx0 * wo2[3] + mx1 * wo2[4] + mx2 * wo2[5] + wb2)
            otmp[...] = o
            pltpu.sync_copy(otmp, out_h.at[dsl])

        return 0

    lax.fori_loop(0, GPW, group_body, 0)


_sc_kernel = pl.kernel(
    _sc_body,
    out_type=jax.ShapeDtypeStruct((N,), jnp.float32),
    mesh=plsc.VectorSubcoreMesh(core_axis_name="c", subcore_axis_name="s"),
    compiler_params=pltpu.CompilerParams(needs_layout_passes=False),
    scratch_types=[
        pltpu.VMEM((N,), jnp.float32),
        pltpu.VMEM((N,), jnp.float32),
        pltpu.VMEM((N,), jnp.float32),
        pltpu.VMEM((N,), jnp.float32),
        pltpu.VMEM((N,), jnp.float32),
        pltpu.VMEM((N,), jnp.float32),
        pltpu.VMEM((NG,), jnp.int32),
        pltpu.VMEM((NG,), jnp.int32),
        pltpu.VMEM((10 * L,), jnp.float32),
        pltpu.VMEM((L, SLAB), jnp.float32),
        pltpu.VMEM((L,), jnp.float32),
    ],
)


@jax.jit
def kernel(x, batch, Ws, bs, Wh, bh, Wout1, Wout2, bout2):
    b32 = batch.astype(jnp.int32)
    s = x @ Ws.T + bs
    h = x @ Wh.T + bh
    sq = jnp.sum(s * s, axis=1)

    pad = NP - N
    sp = jnp.pad(s, ((0, pad), (0, 0)))
    sqp = jnp.pad(sq, (0, pad))
    bp = jnp.pad(b32, (0, pad), constant_values=-1)
    rmin = bp.reshape(NP // BI, BI).min(axis=1)
    rmax = bp.reshape(NP // BI, BI).max(axis=1)
    cmin = bp.reshape(NP // BJ, BJ).min(axis=1)
    cmax = bp.reshape(NP // BJ, BJ).max(axis=1)
    d = _d_kernel(rmin, rmax, cmin, cmax,
                  sp, sp, sqp[:, None], sqp[None, :], bp[:, None],
                  bp[None, :])

    br = b32.reshape(NG, L)
    lo_arr = jnp.searchsorted(b32, br.min(axis=1), side="left")
    hi_arr = jnp.searchsorted(b32, br.max(axis=1), side="right")
    wsc = jnp.concatenate([Wout1.ravel(), Wout2.ravel(), bout2])
    wvec = jnp.repeat(wsc, L)

    out = _sc_kernel(d, h[:, 0], h[:, 1], h[:, 2],
                     x[:, 0], x[:, 1], x[:, 2],
                     lo_arr.astype(jnp.int32), hi_arr.astype(jnp.int32),
                     wvec)
    return out[:, None]

# --- scband reference (transcript-rebuilt; emitter-appended) ---
"""Pipeline reference for scband-model-class-39273180954932 (READ-ONLY COPY).

The authoritative reference and input builder live on the scoring server;
editing this copy changes nothing except your own understanding.
"""

import jax, jax.numpy as jnp
import numpy as np

K = 10

def setup_inputs(seed: int = 0):
    key = jax.random.key(seed)
    ks = jax.random.split(key, 10)
    N = 10000
    x = jax.random.normal(ks[0], (N, 3), dtype=jnp.float32)
    batch = jnp.sort(jax.random.randint(ks[1], (N,), 0, 8))
    # GravNetConv(in_channels=3, out_channels=1, space_dimensions=2, propagate_dimensions=3, k=10)
    Ws = jax.random.normal(ks[2], (2, 3), dtype=jnp.float32) * 0.5      # lin_s
    bs = jax.random.normal(ks[3], (2,), dtype=jnp.float32) * 0.1
    Wh = jax.random.normal(ks[4], (3, 3), dtype=jnp.float32) * 0.5      # lin_h
    bh = jax.random.normal(ks[5], (3,), dtype=jnp.float32) * 0.1
    Wout1 = jax.random.normal(ks[6], (1, 3), dtype=jnp.float32) * 0.5   # lin_out1 (bias=False)
    Wout2 = jax.random.normal(ks[7], (1, 6), dtype=jnp.float32) * 0.5   # lin_out2 on concat(mean,max) of dim 2*3
    bout2 = jax.random.normal(ks[8], (1,), dtype=jnp.float32) * 0.1
    return {"x": x, "batch": batch, "Ws": Ws, "bs": bs, "Wh": Wh, "bh": bh,
            "Wout1": Wout1, "Wout2": Wout2, "bout2": bout2}

def reference(x, batch, Ws, bs, Wh, bh, Wout1, Wout2, bout2):
    # project to learned feature space h and low-dim 'gravity' space s
    s = x @ Ws.T + bs                      # (N, 2)
    h = x @ Wh.T + bh                      # (N, 3)
    # pairwise squared distances in s-space, restricted to same-graph pairs (batch vector)
    sq = jnp.sum(s * s, axis=1)
    d = sq[:, None] + sq[None, :] - 2.0 * (s @ s.T)
    d = jnp.maximum(d, 0.0)
    mask = batch[:, None] != batch[None, :]
    d = jnp.where(mask, 1e10, d)
    # k nearest neighbors per target node (includes self, as torch_cluster.knn does)
    _, idx = jax.lax.top_k(-d, K)          # (N, K) source indices per target
    d_sel = jnp.take_along_axis(d, idx, axis=1)
    w = jnp.exp(-10.0 * d_sel)             # edge weights (N, K)
    msgs = h[idx] * w[:, :, None]          # (N, K, 3) messages x_j * edge_weight
    mean_agg = jnp.mean(msgs, axis=1)      # aggr='mean'
    max_agg = jnp.max(msgs, axis=1)        # aggr='max'
    out_prop = jnp.concatenate([mean_agg, max_agg], axis=1)  # (N, 6)
    return x @ Wout1.T + out_prop @ Wout2.T + bout2          # (N, 1)

if __name__ == "__main__":
    import jax
    _d = setup_inputs()
    print(jax.jit(kernel)(*tuple(_d.values())))

</pallas_src>

<mosaic_0001>
#map = affine_map<(d0, d1) -> (0, 0)>
#map1 = affine_map<(d0, d1) -> (0)>
module attributes {stable_mosaic.version = 14 : i64} {
  func.func @_sc_body(%arg0: i32, %arg1: i32, %arg2: memref<10240x10240xf32, #tpu.memory_space<hbm>>, %arg3: memref<10000xf32, #tpu.memory_space<hbm>>, %arg4: memref<10000xf32, #tpu.memory_space<hbm>>, %arg5: memref<10000xf32, #tpu.memory_space<hbm>>, %arg6: memref<10000xf32, #tpu.memory_space<hbm>>, %arg7: memref<10000xf32, #tpu.memory_space<hbm>>, %arg8: memref<10000xf32, #tpu.memory_space<hbm>>, %arg9: memref<625xi32, #tpu.memory_space<hbm>>, %arg10: memref<625xi32, #tpu.memory_space<hbm>>, %arg11: memref<160xf32, #tpu.memory_space<hbm>>, %arg12: memref<10000xf32, #tpu.memory_space<hbm>>, %arg13: memref<10000xf32, #tpu.memory_space<vmem>>, %arg14: memref<10000xf32, #tpu.memory_space<vmem>>, %arg15: memref<10000xf32, #tpu.memory_space<vmem>>, %arg16: memref<10000xf32, #tpu.memory_space<vmem>>, %arg17: memref<10000xf32, #tpu.memory_space<vmem>>, %arg18: memref<10000xf32, #tpu.memory_space<vmem>>, %arg19: memref<625xi32, #tpu.memory_space<vmem>>, %arg20: memref<625xi32, #tpu.memory_space<vmem>>, %arg21: memref<160xf32, #tpu.memory_space<vmem>>, %arg22: memref<16x2048xf32, #tpu.memory_space<vmem>>, %arg23: memref<16xf32, #tpu.memory_space<vmem>>) attributes {dimension_semantics = [#tpu.dimension_semantics<core_parallel>, #tpu.dimension_semantics<subcore_parallel>], iteration_bounds = array<i64: 2, 16>, scalar_prefetch = 0 : i64, scratch_operands = 11 : i64, tpu.core_type = #tpu.core_type<sc_vector_subcore>, window_params = [{transform_indices = #map}, {transform_indices = #map1}, {transform_indices = #map1}, {transform_indices = #map1}, {transform_indices = #map1}, {transform_indices = #map1}, {transform_indices = #map1}, {transform_indices = #map1}, {transform_indices = #map1}, {transform_indices = #map1}, {transform_indices = #map1}]} {
    %mul3A = arith.constant 2 : i32
    %mul3A_0 = arith.muli %arg1, %mul3A : i32
    %add3A = arith.addi %mul3A_0, %arg0 : i32
    "tpu.region"() ({
      %run_scoped3A = tpu.sem_alloc : memref<!tpu.dma_semaphore, #tpu.memory_space<semaphore_mem>>
      tpu.enqueue_dma source(%arg3 : memref<10000xf32, #tpu.memory_space<hbm>>) target(%arg13 : memref<10000xf32, #tpu.memory_space<vmem>>) target_semaphore(%run_scoped3A : memref<!tpu.dma_semaphore, #tpu.memory_space<semaphore_mem>>)
      tpu.wait_dma2 semaphore(%run_scoped3A : memref<!tpu.dma_semaphore, #tpu.memory_space<semaphore_mem>>) src(%arg3 : memref<10000xf32, #tpu.memory_space<hbm>>) dst(%arg13 : memref<10000xf32, #tpu.memory_space<vmem>>)
      tpu.yield
    }) : () -> ()
    "tpu.region"() ({
      %run_scoped3A = tpu.sem_alloc : memref<!tpu.dma_semaphore, #tpu.memory_space<semaphore_mem>>
      tpu.enqueue_dma source(%arg4 : memref<10000xf32, #tpu.memory_space<hbm>>) target(%arg14 : memref<10000xf32, #tpu.memory_space<vmem>>) target_semaphore(%run_scoped3A : memref<!tpu.dma_semaphore, #tpu.memory_space<semaphore_mem>>)
      tpu.wait_dma2 semaphore(%run_scoped3A : memref<!tpu.dma_semaphore, #tpu.memory_space<semaphore_mem>>) src(%arg4 : memref<10000xf32, #tpu.memory_space<hbm>>) dst(%arg14 : memref<10000xf32, #tpu.memory_space<vmem>>)
      tpu.yield
    }) : () -> ()
    "tpu.region"() ({
      %run_scoped3A = tpu.sem_alloc : memref<!tpu.dma_semaphore, #tpu.memory_space<semaphore_mem>>
      tpu.enqueue_dma source(%arg5 : memref<10000xf32, #tpu.memory_space<hbm>>) target(%arg15 : memref<10000xf32, #tpu.memory_space<vmem>>) target_semaphore(%run_scoped3A : memref<!tpu.dma_semaphore, #tpu.memory_space<semaphore_mem>>)
      tpu.wait_dma2 semaphore(%run_scoped3A : memref<!tpu.dma_semaphore, #tpu.memory_space<semaphore_mem>>) src(%arg5 : memref<10000xf32, #tpu.memory_space<hbm>>) dst(%arg15 : memref<10000xf32, #tpu.memory_space<vmem>>)
      tpu.yield
    }) : () -> ()
    "tpu.region"() ({
      %run_scoped3A = tpu.sem_alloc : memref<!tpu.dma_semaphore, #tpu.memory_space<semaphore_mem>>
      tpu.enqueue_dma source(%arg6 : memref<10000xf32, #tpu.memory_space<hbm>>) target(%arg16 : memref<10000xf32, #tpu.memory_space<vmem>>) target_semaphore(%run_scoped3A : memref<!tpu.dma_semaphore, #tpu.memory_space<semaphore_mem>>)
      tpu.wait_dma2 semaphore(%run_scoped3A : memref<!tpu.dma_semaphore, #tpu.memory_space<semaphore_mem>>) src(%arg6 : memref<10000xf32, #tpu.memory_space<hbm>>) dst(%arg16 : memref<10000xf32, #tpu.memory_space<vmem>>)
      tpu.yield
    }) : () -> ()
    "tpu.region"() ({
      %run_scoped3A = tpu.sem_alloc : memref<!tpu.dma_semaphore, #tpu.memory_space<semaphore_mem>>
      tpu.enqueue_dma source(%arg7 : memref<10000xf32, #tpu.memory_space<hbm>>) target(%arg17 : memref<10000xf32, #tpu.memory_space<vmem>>) target_semaphore(%run_scoped3A : memref<!tpu.dma_semaphore, #tpu.memory_space<semaphore_mem>>)
      tpu.wait_dma2 semaphore(%run_scoped3A : memref<!tpu.dma_semaphore, #tpu.memory_space<semaphore_mem>>) src(%arg7 : memref<10000xf32, #tpu.memory_space<hbm>>) dst(%arg17 : memref<10000xf32, #tpu.memory_space<vmem>>)
      tpu.yield
    }) : () -> ()
    "tpu.region"() ({
      %run_scoped3A = tpu.sem_alloc : memref<!tpu.dma_semaphore, #tpu.memory_space<semaphore_mem>>
      tpu.enqueue_dma source(%arg8 : memref<10000xf32, #tpu.memory_space<hbm>>) target(%arg18 : memref<10000xf32, #tpu.memory_space<vmem>>) target_semaphore(%run_scoped3A : memref<!tpu.dma_semaphore, #tpu.memory_space<semaphore_mem>>)
      tpu.wait_dma2 semaphore(%run_scoped3A : memref<!tpu.dma_semaphore, #tpu.memory_space<semaphore_mem>>) src(%arg8 : memref<10000xf32, #tpu.memory_space<hbm>>) dst(%arg18 : memref<10000xf32, #tpu.memory_space<vmem>>)
      tpu.yield
    }) : () -> ()
    "tpu.region"() ({
      %run_scoped3A = tpu.sem_alloc : memref<!tpu.dma_semaphore, #tpu.memory_space<semaphore_mem>>
      tpu.enqueue_dma source(%arg9 : memref<625xi32, #tpu.memory_space<hbm>>) target(%arg19 : memref<625xi32, #tpu.memory_space<vmem>>) target_semaphore(%run_scoped3A : memref<!tpu.dma_semaphore, #tpu.memory_space<semaphore_mem>>)
      tpu.wait_dma2 semaphore(%run_scoped3A : memref<!tpu.dma_semaphore, #tpu.memory_space<semaphore_mem>>) src(%arg9 : memref<625xi32, #tpu.memory_space<hbm>>) dst(%arg19 : memref<625xi32, #tpu.memory_space<vmem>>)
      tpu.yield
    }) : () -> ()
    "tpu.region"() ({
      %run_scoped3A = tpu.sem_alloc : memref<!tpu.dma_semaphore, #tpu.memory_space<semaphore_mem>>
      tpu.enqueue_dma source(%arg10 : memref<625xi32, #tpu.memory_space<hbm>>) target(%arg20 : memref<625xi32, #tpu.memory_space<vmem>>) target_semaphore(%run_scoped3A : memref<!tpu.dma_semaphore, #tpu.memory_space<semaphore_mem>>)
      tpu.wait_dma2 semaphore(%run_scoped3A : memref<!tpu.dma_semaphore, #tpu.memory_space<semaphore_mem>>) src(%arg10 : memref<625xi32, #tpu.memory_space<hbm>>) dst(%arg20 : memref<625xi32, #tpu.memory_space<vmem>>)
      tpu.yield
    }) : () -> ()
    "tpu.region"() ({
      %run_scoped3A = tpu.sem_alloc : memref<!tpu.dma_semaphore, #tpu.memory_space<semaphore_mem>>
      tpu.enqueue_dma source(%arg11 : memref<160xf32, #tpu.memory_space<hbm>>) target(%arg21 : memref<160xf32, #tpu.memory_space<vmem>>) target_semaphore(%run_scoped3A : memref<!tpu.dma_semaphore, #tpu.memory_space<semaphore_mem>>)
      tpu.wait_dma2 semaphore(%run_scoped3A : memref<!tpu.dma_semaphore, #tpu.memory_space<semaphore_mem>>) src(%arg11 : memref<160xf32, #tpu.memory_space<hbm>>) dst(%arg21 : memref<160xf32, #tpu.memory_space<vmem>>)
      tpu.yield
    }) : () -> ()
    %get3A = arith.constant 0 : index
    %get3A_1 = tpu.vector_load %arg21[%get3A] {strides = array<i32>} : memref<160xf32, #tpu.memory_space<vmem>>, vector<16xf32>,
    %get3A_2 = arith.constant 16 : index
    %get3A_3 = tpu.vector_load %arg21[%get3A_2] {strides = array<i32>} : memref<160xf32, #tpu.memory_space<vmem>>, vector<16xf32>,
    %get3A_4 = arith.constant 32 : index
    %get3A_5 = tpu.vector_load %arg21[%get3A_4] {strides = array<i32>} : memref<160xf32, #tpu.memory_space<vmem>>, vector<16xf32>,
    %get3A_6 = arith.constant 48 : index
    %get3A_7 = tpu.vector_load %arg21[%get3A_6] {strides = array<i32>} : memref<160xf32, #tpu.memory_space<vmem>>, vector<16xf32>,
    %get3A_8 = arith.constant 64 : index
    %get3A_9 = tpu.vector_load %arg21[%get3A_8] {strides = array<i32>} : memref<160xf32, #tpu.memory_space<vmem>>, vector<16xf32>,
    %get3A_10 = arith.constant 80 : index
    %get3A_11 = tpu.vector_load %arg21[%get3A_10] {strides = array<i32>} : memref<160xf32, #tpu.memory_space<vmem>>, vector<16xf32>,
    %get3A_12 = arith.constant 96 : index
    %get3A_13 = tpu.vector_load %arg21[%get3A_12] {strides = array<i32>} : memref<160xf32, #tpu.memory_space<vmem>>, vector<16xf32>,
    %get3A_14 = arith.constant 112 : index
    %get3A_15 = tpu.vector_load %arg21[%get3A_14] {strides = array<i32>} : memref<160xf32, #tpu.memory_space<vmem>>, vector<16xf32>,
    %get3A_16 = arith.constant 128 : index
    %get3A_17 = tpu.vector_load %arg21[%get3A_16] {strides = array<i32>} : memref<160xf32, #tpu.memory_space<vmem>>, vector<16xf32>,
    %get3A_18 = arith.constant 144 : index
    %get3A_19 = tpu.vector_load %arg21[%get3A_18] {strides = array<i32>} : memref<160xf32, #tpu.memory_space<vmem>>, vector<16xf32>,
    %iota3A = tpu.iota {dimensions = array<i32: 0>} : vector<16xi32>
    %scan3A = arith.constant 0 : i32
    %scan3A_20 = arith.constant 0 : i32
    %scan3A_21 = arith.constant 20 : i32
    %scan3A_22 = arith.addi %scan3A_20, %scan3A_21 : i32
    %scan3A_23 = arith.constant 1 : i32
    %scan3A_24 = scf.for %scan3A_26 = %scan3A_20 to %scan3A_22 step %scan3A_23 iter_args(%scan3A_27 = %scan3A) -> (i32)  : i32 {
      %mul3A_28 = arith.constant 32 : i32
      %mul3A_29 = arith.muli %scan3A_26, %mul3A_28 : i32
      %add3A_30 = arith.addi %add3A, %mul3A_29 : i32
      %lt3A = arith.constant 625 : i32
      %lt3A_31 = arith.cmpi slt, %add3A_30, %lt3A : i32
      %convert_element_type3A = arith.extui %lt3A_31 : i1 to i32
      %cond3A = arith.constant 0 : i32
      %cond3A_32 = arith.cmpi ne, %convert_element_type3A, %cond3A : i32
      scf.if %cond3A_32 {
        %mul3A_34 = arith.constant 16 : i32
        %mul3A_35 = arith.muli %add3A_30, %mul3A_34 : i32
        %broadcast_in_dim3A = vector.broadcast %add3A_30 : i32 to vector<16xi32>
        %gather3A = tpu.vector_load_idx %arg19[%broadcast_in_dim3A] : memref<625xi32, #tpu.memory_space<vmem>>[vector<16xi32>], vector<16xi32>,
        %reduce_min3A = arith.constant true
        %reduce_min3A_36 = vector.broadcast %reduce_min3A : i1 to vector<16xi1>
        %reduce_min3A_37 = arith.constant -2147483648 : i32
        %reduce_min3A_38 = vector.broadcast %reduce_min3A_37 : i32 to vector<16xi32>
        %reduce_min3A_39 = arith.xori %gather3A, %reduce_min3A_38 : vector<16xi32>
        %reduce_min3A_40 = tpu.scan <min>, %reduce_min3A_39 masked %reduce_min3A_36 : vector<16xi32>, vector<16xi1> -> vector<16xi32>
        %reduce_min3A_41 = arith.xori %reduce_min3A_40, %reduce_min3A_38 : vector<16xi32>
        %reduce_min3A_42 = vector.extract %reduce_min3A_41[15] : i32 from vector<16xi32>
        %gather3A_43 = tpu.vector_load_idx %arg20[%broadcast_in_dim3A] : memref<625xi32, #tpu.memory_space<vmem>>[vector<16xi32>], vector<16xi32>,
        %reduce_min3A_44 = arith.constant true
        %reduce_min3A_45 = vector.broadcast %reduce_min3A_44 : i1 to vector<16xi1>
        %reduce_min3A_46 = arith.constant -2147483648 : i32
        %reduce_min3A_47 = vector.broadcast %reduce_min3A_46 : i32 to vector<16xi32>
        %reduce_min3A_48 = arith.xori %gather3A_43, %reduce_min3A_47 : vector<16xi32>
        %reduce_min3A_49 = tpu.scan <min>, %reduce_min3A_48 masked %reduce_min3A_45 : vector<16xi32>, vector<16xi1> -> vector<16xi32>
        %reduce_min3A_50 = arith.xori %reduce_min3A_49, %reduce_min3A_47 : vector<16xi32>
        %reduce_min3A_51 = vector.extract %reduce_min3A_50[15] : i32 from vector<16xi32>
        %and3A = arith.constant -128 : i32
        %and3A_52 = arith.andi %reduce_min3A_42, %and3A : i32
        %broadcast_in_dim3A_53 = arith.constant 1.000000e+10 : f32
        %broadcast_in_dim3A_54 = vector.broadcast %broadcast_in_dim3A_53 : f32 to vector<16xf32>
        %broadcast_in_dim3A_55 = arith.constant 0 : i32
        %broadcast_in_dim3A_56 = vector.broadcast %broadcast_in_dim3A_55 : i32 to vector<16xi32>
        %scan3A_57 = arith.constant 0 : i32
        %scan3A_58 = arith.constant 6 : i32
        %scan3A_59 = arith.addi %scan3A_57, %scan3A_58 : i32
        %scan3A_60 = arith.constant 1 : i32
        %scan3A_61:20 = scf.for %scan3A_254 = %scan3A_57 to %scan3A_59 step %scan3A_60 iter_args(%scan3A_255 = %broadcast_in_dim3A_54, %scan3A_256 = %broadcast_in_dim3A_54, %scan3A_257 = %broadcast_in_dim3A_54, %scan3A_258 = %broadcast_in_dim3A_54, %scan3A_259 = %broadcast_in_dim3A_54, %scan3A_260 = %broadcast_in_dim3A_54, %scan3A_261 = %broadcast_in_dim3A_54, %scan3A_262 = %broadcast_in_dim3A_54, %scan3A_263 = %broadcast_in_dim3A_54, %scan3A_264 = %broadcast_in_dim3A_54, %scan3A_265 = %broadcast_in_dim3A_56, %scan3A_266 = %broadcast_in_dim3A_56, %scan3A_267 = %broadcast_in_dim3A_56, %scan3A_268 = %broadcast_in_dim3A_56, %scan3A_269 = %broadcast_in_dim3A_56, %scan3A_270 = %broadcast_in_dim3A_56, %scan3A_271 = %broadcast_in_dim3A_56, %scan3A_272 = %broadcast_in_dim3A_56, %scan3A_273 = %broadcast_in_dim3A_56, %scan3A_274 = %broadcast_in_dim3A_56) -> (vector<16xf32>, vector<16xf32>, vector<16xf32>, vector<16xf32>, vector<16xf32>, vector<16xf32>, vector<16xf32>, vector<16xf32>, vector<16xf32>, vector<16xf32>, vector<16xi32>, vector<16xi32>, vector<16xi32>, vector<16xi32>, vector<16xi32>, vector<16xi32>, vector<16xi32>, vector<16xi32>, vector<16xi32>, vector<16xi32>)  : i32 {
          %mul3A_275 = arith.constant 2048 : i32
          %mul3A_276 = arith.muli %scan3A_254, %mul3A_275 : i32
          %add3A_277 = arith.addi %and3A_52, %mul3A_276 : i32
          %min3A = arith.constant 8192 : i32
          %min3A_278 = arith.minsi %add3A_277, %min3A : i32
          %multiple_of3A = tpu.assume_multiple %min3A_278, 128 : i32
          %max3A_279 = arith.maxsi %reduce_min3A_42, %add3A_277 : i32
          %add3A_280 = arith.constant 2048 : i32
          %add3A_281 = arith.addi %add3A_277, %add3A_280 : i32
          %min3A_282 = arith.minsi %reduce_min3A_51, %add3A_281 : i32
          %lt3A_283 = arith.cmpi slt, %max3A_279, %min3A_282 : i32
          %convert_element_type3A_284 = arith.extui %lt3A_283 : i1 to i32
          %cond3A_285 = arith.constant 0 : i32
          %cond3A_286 = arith.cmpi ne, %convert_element_type3A_284, %cond3A_285 : i32
          %cond3A_287:20 = scf.if %cond3A_286 -> (vector<16xf32>, vector<16xf32>, vector<16xf32>, vector<16xf32>, vector<16xf32>, vector<16xf32>, vector<16xf32>, vector<16xf32>, vector<16xf32>, vector<16xf32>, vector<16xi32>, vector<16xi32>, vector<16xi32>, vector<16xi32>, vector<16xi32>, vector<16xi32>, vector<16xi32>, vector<16xi32>, vector<16xi32>, vector<16xi32>) {
            "tpu.region"() ({
              %run_scoped3A = tpu.sem_alloc : memref<!tpu.dma_semaphore, #tpu.memory_space<semaphore_mem>>
              %dma_start3A = tpu.memref_slice %arg2[%mul3A_35, %multiple_of3A] : memref<10240x10240xf32, #tpu.memory_space<hbm>> -> memref<16x2048xf32, #tpu.memory_space<hbm>>
              %dma_start3A_324 = tpu.memref_slice %arg2[%mul3A_35, %multiple_of3A] : memref<10240x10240xf32, #tpu.memory_space<hbm>> -> memref<16x2048xf32, #tpu.memory_space<hbm>>
              tpu.enqueue_dma source(%dma_start3A_324 : memref<16x2048xf32, #tpu.memory_space<hbm>>) target(%arg22 : memref<16x2048xf32, #tpu.memory_space<vmem>>) target_semaphore(%run_scoped3A : memref<!tpu.dma_semaphore, #tpu.memory_space<semaphore_mem>>)
              %dma_wait3A = tpu.memref_slice %arg2[%mul3A_35, %multiple_of3A] : memref<10240x10240xf32, #tpu.memory_space<hbm>> -> memref<16x2048xf32, #tpu.memory_space<hbm>>
              %dma_wait3A_325 = tpu.memref_slice %arg2[%mul3A_35, %multiple_of3A] : memref<10240x10240xf32, #tpu.memory_space<hbm>> -> memref<16x2048xf32, #tpu.memory_space<hbm>>
              tpu.wait_dma2 semaphore(%run_scoped3A : memref<!tpu.dma_semaphore, #tpu.memory_space<semaphore_mem>>) src(%dma_wait3A_325 : memref<16x2048xf32, #tpu.memory_space<hbm>>) dst(%arg22 : memref<16x2048xf32, #tpu.memory_space<vmem>>)
              tpu.yield
            }) : () -> ()
            %sub3A = arith.subi %min3A_282, %max3A_279 : i32
            %sub3A_288 = arith.subi %max3A_279, %multiple_of3A : i32
            %jit3A = arith.constant 2 : i32
            %div3A = arith.divsi %sub3A, %jit3A : i32
            %sign3A = arith.constant 0 : i32
            %sign3A_289 = arith.cmpi sgt, %sub3A, %sign3A : i32
            %sign3A_290 = arith.extui %sign3A_289 : i1 to i32
            %sign3A_291 = arith.constant 0 : i32
            %sign3A_292 = arith.cmpi slt, %sub3A, %sign3A_291 : i32
            %sign3A_293 = arith.extui %sign3A_292 : i1 to i32
            %sign3A_294 = arith.subi %sign3A_290, %sign3A_293 : i32
            %sign3A_295 = arith.constant 0 : i32
            %sign3A_296 = arith.cmpi sgt, %jit3A, %sign3A_295 : i32
            %sign3A_297 = arith.extui %sign3A_296 : i1 to i32
            %sign3A_298 = arith.constant 0 : i32
            %sign3A_299 = arith.cmpi slt, %jit3A, %sign3A_298 : i32
            %sign3A_300 = arith.extui %sign3A_299 : i1 to i32
            %sign3A_301 = arith.subi %sign3A_297, %sign3A_300 : i32
            %ne3A = arith.cmpi ne, %sign3A_294, %sign3A_301 : i32
            %rem3A = arith.remsi %sub3A, %jit3A : i32
            %ne3A_302 = arith.constant 0 : i32
            %ne3A_303 = arith.cmpi ne, %rem3A, %ne3A_302 : i32
            %and3A_304 = arith.andi %ne3A, %ne3A_303 : i1
            %sub3A_305 = arith.constant 1 : i32
            %sub3A_306 = arith.subi %div3A, %sub3A_305 : i32
            %select_n3A = arith.select %and3A_304, %sub3A_306, %div3A : i32
            %while3A = arith.constant 0 : i32
            %while3A_307 = arith.subi %select_n3A, %while3A : i32
            %while3A_308 = arith.addi %while3A, %while3A_307 : i32
            %while3A_309 = arith.constant 1 : i32
            %while3A_310 = arith.divsi %while3A_307, %while3A_309 : i32
            %while3A_311 = arith.muli %while3A_310, %while3A_309 : i32
            %while3A_312 = arith.addi %while3A, %while3A_311 : i32
            %while3A_313 = arith.constant 1 : i32
            %while3A_314:20 = scf.for %while3A_324 = %while3A to %while3A_312 step %while3A_313 iter_args(%while3A_325 = %scan3A_255, %while3A_326 = %scan3A_256, %while3A_327 = %scan3A_257, %while3A_328 = %scan3A_258, %while3A_329 = %scan3A_259, %while3A_330 = %scan3A_260, %while3A_331 = %scan3A_261, %while3A_332 = %scan3A_262, %while3A_333 = %scan3A_263, %while3A_334 = %scan3A_264, %while3A_335 = %scan3A_265, %while3A_336 = %scan3A_266, %while3A_337 = %scan3A_267, %while3A_338 = %scan3A_268, %while3A_339 = %scan3A_269, %while3A_340 = %scan3A_270, %while3A_341 = %scan3A_271, %while3A_342 = %scan3A_272, %while3A_343 = %scan3A_273, %while3A_344 = %scan3A_274) -> (vector<16xf32>, vector<16xf32>, vector<16xf32>, vector<16xf32>, vector<16xf32>, vector<16xf32>, vector<16xf32>, vector<16xf32>, vector<16xf32>, vector<16xf32>, vector<16xi32>, vector<16xi32>, vector<16xi32>, vector<16xi32>, vector<16xi32>, vector<16xi32>, vector<16xi32>, vector<16xi32>, vector<16xi32>, vector<16xi32>)  : i32 {
              %mul3A_345 = arith.constant 2 : i32
              %mul3A_346 = arith.muli %mul3A_345, %while3A_324 : i32
              %add3A_347 = arith.addi %sub3A_288, %mul3A_346 : i32
              %add3A_348 = arith.constant 1 : i32
              %add3A_349 = arith.addi %add3A_347, %add3A_348 : i32
              %broadcast_in_dim3A_350 = vector.broadcast %add3A_347 : i32 to vector<16xi32>
              %gather3A_351 = tpu.vector_load_idx %arg22[%iota3A, %broadcast_in_dim3A_350] : memref<16x2048xf32, #tpu.memory_space<vmem>>[vector<16xi32>, vector<16xi32>], vector<16xf32>,
              %add3A_352 = vector.broadcast %multiple_of3A : i32 to vector<16xi32>
              %add3A_353 = arith.addi %broadcast_in_dim3A_350, %add3A_352 : vector<16xi32>
              %lt3A_354 = arith.cmpf olt, %gather3A_351, %while3A_334 : vector<16xf32>
              %reduce_or3A = arith.constant 1.000000e+00 : f32
              %reduce_or3A_355 = arith.constant 0.000000e+00 : f32
              %reduce_or3A_356 = vector.broadcast %reduce_or3A : f32 to vector<16xf32>
              %reduce_or3A_357 = vector.broadcast %reduce_or3A_355 : f32 to vector<16xf32>
              %reduce_or3A_358 = arith.select %lt3A_354, %reduce_or3A_356, %reduce_or3A_357 : vector<16xi1>, vector<16xf32>
              %reduce_or3A_359 = arith.constant true
              %reduce_or3A_360 = vector.broadcast %reduce_or3A_359 : i1 to vector<16xi1>
              %reduce_or3A_361 = tpu.scan <max>, %reduce_or3A_358 masked %reduce_or3A_360 : vector<16xf32>, vector<16xi1> -> vector<16xf32>
              %reduce_or3A_362 = vector.extract %reduce_or3A_361[15] : f32 from vector<16xf32>
              %reduce_or3A_363 = arith.constant 0.000000e+00 : f32
              %reduce_or3A_364 = arith.cmpf ogt, %reduce_or3A_362, %reduce_or3A_363 : f32
              %convert_element_type3A_365 = arith.extui %reduce_or3A_364 : i1 to i32
              %cond3A_366 = arith.constant 0 : i32
              %cond3A_367 = arith.cmpi ne, %convert_element_type3A_365, %cond3A_366 : i32
              %cond3A_368:20 = scf.if %cond3A_367 -> (vector<16xf32>, vector<16xf32>, vector<16xf32>, vector<16xf32>, vector<16xf32>, vector<16xf32>, vector<16xf32>, vector<16xf32>, vector<16xf32>, vector<16xf32>, vector<16xi32>, vector<16xi32>, vector<16xi32>, vector<16xi32>, vector<16xi32>, vector<16xi32>, vector<16xi32>, vector<16xi32>, vector<16xi32>, vector<16xi32>) {
                %lt3A_389 = arith.cmpf olt, %gather3A_351, %while3A_325 : vector<16xf32>
                %select_n3A_390 = arith.select %lt3A_389, %gather3A_351, %while3A_325 : vector<16xi1>, vector<16xf32>
                %select_n3A_391 = arith.select %lt3A_389, %add3A_353, %while3A_335 : vector<16xi1>, vector<16xi32>
                %select_n3A_392 = arith.select %lt3A_389, %while3A_325, %gather3A_351 : vector<16xi1>, vector<16xf32>
                %select_n3A_393 = arith.select %lt3A_389, %while3A_335, %add3A_353 : vector<16xi1>, vector<16xi32>
                %lt3A_394 = arith.cmpf olt, %select_n3A_392, %while3A_326 : vector<16xf32>
                %select_n3A_395 = arith.select %lt3A_394, %select_n3A_392, %while3A_326 : vector<16xi1>, vector<16xf32>
                %select_n3A_396 = arith.select %lt3A_394, %select_n3A_393, %while3A_336 : vector<16xi1>, vector<16xi32>
                %select_n3A_397 = arith.select %lt3A_394, %while3A_326, %select_n3A_392 : vector<16xi1>, vector<16xf32>
                %select_n3A_398 = arith.select %lt3A_394, %while3A_336, %select_n3A_393 : vector<16xi1>, vector<16xi32>
                %lt3A_399 = arith.cmpf olt, %select_n3A_397, %while3A_327 : vector<16xf32>
                %select_n3A_400 = arith.select %lt3A_399, %select_n3A_397, %while3A_327 : vector<16xi1>, vector<16xf32>
                %select_n3A_401 = arith.select %lt3A_399, %select_n3A_398, %while3A_337 : vector<16xi1>, vector<16xi32>
                %select_n3A_402 = arith.select %lt3A_399, %while3A_327, %select_n3A_397 : vector<16xi1>, vector<16xf32>
                %select_n3A_403 = arith.select %lt3A_399, %while3A_337, %select_n3A_398 : vector<16xi1>, vector<16xi32>
                %lt3A_404 = arith.cmpf olt, %select_n3A_402, %while3A_328 : vector<16xf32>
                %select_n3A_405 = arith.select %lt3A_404, %select_n3A_402, %while3A_328 : vector<16xi1>, vector<16xf32>
                %select_n3A_406 = arith.select %lt3A_404, %select_n3A_403, %while3A_338 : vector<16xi1>, vector<16xi32>
                %select_n3A_407 = arith.select %lt3A_404, %while3A_328, %select_n3A_402 : vector<16xi1>, vector<16xf32>
                %select_n3A_408 = arith.select %lt3A_404, %while3A_338, %select_n3A_403 : vector<16xi1>, vector<16xi32>
                %lt3A_409 = arith.cmpf olt, %select_n3A_407, %while3A_329 : vector<16xf32>
                %select_n3A_410 = arith.select %lt3A_409, %select_n3A_407, %while3A_329 : vector<16xi1>, vector<16xf32>
                %select_n3A_411 = arith.select %lt3A_409, %select_n3A_408, %while3A_339 : vector<16xi1>, vector<16xi32>
                %select_n3A_412 = arith.select %lt3A_409, %while3A_329, %select_n3A_407 : vector<16xi1>, vector<16xf32>
                %select_n3A_413 = arith.select %lt3A_409, %while3A_339, %select_n3A_408 : vector<16xi1>, vector<16xi32>
                %lt3A_414 = arith.cmpf olt, %select_n3A_412, %while3A_330 : vector<16xf32>
                %select_n3A_415 = arith.select %lt3A_414, %select_n3A_412, %while3A_330 : vector<16xi1>, vector<16xf32>
                %select_n3A_416 = arith.select %lt3A_414, %select_n3A_413, %while3A_340 : vector<16xi1>, vector<16xi32>
                %select_n3A_417 = arith.select %lt3A_414, %while3A_330, %select_n3A_412 : vector<16xi1>, vector<16xf32>
                %select_n3A_418 = arith.select %lt3A_414, %while3A_340, %select_n3A_413 : vector<16xi1>, vector<16xi32>
                %lt3A_419 = arith.cmpf olt, %select_n3A_417, %while3A_331 : vector<16xf32>
                %select_n3A_420 = arith.select %lt3A_419, %select_n3A_417, %while3A_331 : vector<16xi1>, vector<16xf32>
                %select_n3A_421 = arith.select %lt3A_419, %select_n3A_418, %while3A_341 : vector<16xi1>, vector<16xi32>
                %select_n3A_422 = arith.select %lt3A_419, %while3A_331, %select_n3A_417 : vector<16xi1>, vector<16xf32>
                %select_n3A_423 = arith.select %lt3A_419, %while3A_341, %select_n3A_418 : vector<16xi1>, vector<16xi32>
                %lt3A_424 = arith.cmpf olt, %select_n3A_422, %while3A_332 : vector<16xf32>
                %select_n3A_425 = arith.select %lt3A_424, %select_n3A_422, %while3A_332 : vector<16xi1>, vector<16xf32>
                %select_n3A_426 = arith.select %lt3A_424, %select_n3A_423, %while3A_342 : vector<16xi1>, vector<16xi32>
                %select_n3A_427 = arith.select %lt3A_424, %while3A_332, %select_n3A_422 : vector<16xi1>, vector<16xf32>
                %select_n3A_428 = arith.select %lt3A_424, %while3A_342, %select_n3A_423 : vector<16xi1>, vector<16xi32>
                %lt3A_429 = arith.cmpf olt, %select_n3A_427, %while3A_333 : vector<16xf32>
                %select_n3A_430 = arith.select %lt3A_429, %select_n3A_427, %while3A_333 : vector<16xi1>, vector<16xf32>
                %select_n3A_431 = arith.select %lt3A_429, %select_n3A_428, %while3A_343 : vector<16xi1>, vector<16xi32>
                %select_n3A_432 = arith.select %lt3A_429, %while3A_333, %select_n3A_427 : vector<16xi1>, vector<16xf32>
                %select_n3A_433 = arith.select %lt3A_429, %while3A_343, %select_n3A_428 : vector<16xi1>, vector<16xi32>
                %lt3A_434 = arith.cmpf olt, %select_n3A_432, %while3A_334 : vector<16xf32>
                %select_n3A_435 = arith.select %lt3A_434, %select_n3A_432, %while3A_334 : vector<16xi1>, vector<16xf32>
                %select_n3A_436 = arith.select %lt3A_434, %select_n3A_433, %while3A_344 : vector<16xi1>, vector<16xi32>
                %select_n3A_437 = arith.select %lt3A_434, %while3A_334, %select_n3A_432 : vector<16xi1>, vector<16xf32>
                %select_n3A_438 = arith.select %lt3A_434, %while3A_344, %select_n3A_433 : vector<16xi1>, vector<16xi32>
                scf.yield %select_n3A_390, %select_n3A_395, %select_n3A_400, %select_n3A_405, %select_n3A_410, %select_n3A_415, %select_n3A_420, %select_n3A_425, %select_n3A_430, %select_n3A_435, %select_n3A_391, %select_n3A_396, %select_n3A_401, %select_n3A_406, %select_n3A_411, %select_n3A_416, %select_n3A_421, %select_n3A_426, %select_n3A_431, %select_n3A_436 : vector<16xf32>, vector<16xf32>, vector<16xf32>, vector<16xf32>, vector<16xf32>, vector<16xf32>, vector<16xf32>, vector<16xf32>, vector<16xf32>, vector<16xf32>, vector<16xi32>, vector<16xi32>, vector<16xi32>, vector<16xi32>, vector<16xi32>, vector<16xi32>, vector<16xi32>, vector<16xi32>, vector<16xi32>, vector<16xi32>
              } else {
                scf.yield %while3A_325, %while3A_326, %while3A_327, %while3A_328, %while3A_329, %while3A_330, %while3A_331, %while3A_332, %while3A_333, %while3A_334, %while3A_335, %while3A_336, %while3A_337, %while3A_338, %while3A_339, %while3A_340, %while3A_341, %while3A_342, %while3A_343, %while3A_344 : vector<16xf32>, vector<16xf32>, vector<16xf32>, vector<16xf32>, vector<16xf32>, vector<16xf32>, vector<16xf32>, vector<16xf32>, vector<16xf32>, vector<16xf32>, vector<16xi32>, vector<16xi32>, vector<16xi32>, vector<16xi32>, vector<16xi32>, vector<16xi32>, vector<16xi32>, vector<16xi32>, vector<16xi32>, vector<16xi32>
              }
              %broadcast_in_dim3A_369 = vector.broadcast %add3A_349 : i32 to vector<16xi32>
              %gather3A_370 = tpu.vector_load_idx %arg22[%iota3A, %broadcast_in_dim3A_369] : memref<16x2048xf32, #tpu.memory_space<vmem>>[vector<16xi32>, vector<16xi32>], vector<16xf32>,
              %add3A_371 = vector.broadcast %multiple_of3A : i32 to vector<16xi32>
              %add3A_372 = arith.addi %broadcast_in_dim3A_369, %add3A_371 : vector<16xi32>
              %lt3A_373 = arith.cmpf olt, %gather3A_370, %cond3A_368#9 : vector<16xf32>
              %reduce_or3A_374 = arith.constant 1.000000e+00 : f32
              %reduce_or3A_375 = arith.constant 0.000000e+00 : f32
              %reduce_or3A_376 = vector.broadcast %reduce_or3A_374 : f32 to vector<16xf32>
              %reduce_or3A_377 = vector.broadcast %reduce_or3A_375 : f32 to vector<16xf32>
              %reduce_or3A_378 = arith.select %lt3A_373, %reduce_or3A_376, %reduce_or3A_377 : vector<16xi1>, vector<16xf32>
              %reduce_or3A_379 = arith.constant true
              %reduce_or3A_380 = vector.broadcast %reduce_or3A_379 : i1 to vector<16xi1>
              %reduce_or3A_381 = tpu.scan <max>, %reduce_or3A_378 masked %reduce_or3A_380 : vector<16xf32>, vector<16xi1> -> vector<16xf32>
              %reduce_or3A_382 = vector.extract %reduce_or3A_381[15] : f32 from vector<16xf32>
              %reduce_or3A_383 = arith.constant 0.000000e+00 : f32
              %reduce_or3A_384 = arith.cmpf ogt, %reduce_or3A_382, %reduce_or3A_383 : f32
              %convert_element_type3A_385 = arith.extui %reduce_or3A_384 : i1 to i32
              %cond3A_386 = arith.constant 0 : i32
              %cond3A_387 = arith.cmpi ne, %convert_element_type3A_385, %cond3A_386 : i32
              %cond3A_388:20 = scf.if %cond3A_387 -> (vector<16xf32>, vector<16xf32>, vector<16xf32>, vector<16xf32>, vector<16xf32>, vector<16xf32>, vector<16xf32>, vector<16xf32>, vector<16xf32>, vector<16xf32>, vector<16xi32>, vector<16xi32>, vector<16xi32>, vector<16xi32>, vector<16xi32>, vector<16xi32>, vector<16xi32>, vector<16xi32>, vector<16xi32>, vector<16xi32>) {
                %lt3A_389 = arith.cmpf olt, %gather3A_370, %cond3A_368#0 : vector<16xf32>
                %select_n3A_390 = arith.select %lt3A_389, %gather3A_370, %cond3A_368#0 : vector<16xi1>, vector<16xf32>
                %select_n3A_391 = arith.select %lt3A_389, %add3A_372, %cond3A_368#10 : vector<16xi1>, vector<16xi32>
                %select_n3A_392 = arith.select %lt3A_389, %cond3A_368#0, %gather3A_370 : vector<16xi1>, vector<16xf32>
                %select_n3A_393 = arith.select %lt3A_389, %cond3A_368#10, %add3A_372 : vector<16xi1>, vector<16xi32>
                %lt3A_394 = arith.cmpf olt, %select_n3A_392, %cond3A_368#1 : vector<16xf32>
                %select_n3A_395 = arith.select %lt3A_394, %select_n3A_392, %cond3A_368#1 : vector<16xi1>, vector<16xf32>
                %select_n3A_396 = arith.select %lt3A_394, %select_n3A_393, %cond3A_368#11 : vector<16xi1>, vector<16xi32>
                %select_n3A_397 = arith.select %lt3A_394, %cond3A_368#1, %select_n3A_392 : vector<16xi1>, vector<16xf32>
                %select_n3A_398 = arith.select %lt3A_394, %cond3A_368#11, %select_n3A_393 : vector<16xi1>, vector<16xi32>
                %lt3A_399 = arith.cmpf olt, %select_n3A_397, %cond3A_368#2 : vector<16xf32>
                %select_n3A_400 = arith.select %lt3A_399, %select_n3A_397, %cond3A_368#2 : vector<16xi1>, vector<16xf32>
                %select_n3A_401 = arith.select %lt3A_399, %select_n3A_398, %cond3A_368#12 : vector<16xi1>, vector<16xi32>
                %select_n3A_402 = arith.select %lt3A_399, %cond3A_368#2, %select_n3A_397 : vector<16xi1>, vector<16xf32>
                %select_n3A_403 = arith.select %lt3A_399, %cond3A_368#12, %select_n3A_398 : vector<16xi1>, vector<16xi32>
                %lt3A_404 = arith.cmpf olt, %select_n3A_402, %cond3A_368#3 : vector<16xf32>
                %select_n3A_405 = arith.select %lt3A_404, %select_n3A_402, %cond3A_368#3 : vector<16xi1>, vector<16xf32>
                %select_n3A_406 = arith.select %lt3A_404, %select_n3A_403, %cond3A_368#13 : vector<16xi1>, vector<16xi32>
                %select_n3A_407 = arith.select %lt3A_404, %cond3A_368#3, %select_n3A_402 : vector<16xi1>, vector<16xf32>
                %select_n3A_408 = arith.select %lt3A_404, %cond3A_368#13, %select_n3A_403 : vector<16xi1>, vector<16xi32>
                %lt3A_409 = arith.cmpf olt, %select_n3A_407, %cond3A_368#4 : vector<16xf32>
                %select_n3A_410 = arith.select %lt3A_409, %select_n3A_407, %cond3A_368#4 : vector<16xi1>, vector<16xf32>
                %select_n3A_411 = arith.select %lt3A_409, %select_n3A_408, %cond3A_368#14 : vector<16xi1>, vector<16xi32>
                %select_n3A_412 = arith.select %lt3A_409, %cond3A_368#4, %select_n3A_407 : vector<16xi1>, vector<16xf32>
                %select_n3A_413 = arith.select %lt3A_409, %cond3A_368#14, %select_n3A_408 : vector<16xi1>, vector<16xi32>
                %lt3A_414 = arith.cmpf olt, %select_n3A_412, %cond3A_368#5 : vector<16xf32>
                %select_n3A_415 = arith.select %lt3A_414, %select_n3A_412, %cond3A_368#5 : vector<16xi1>, vector<16xf32>
                %select_n3A_416 = arith.select %lt3A_414, %select_n3A_413, %cond3A_368#15 : vector<16xi1>, vector<16xi32>
                %select_n3A_417 = arith.select %lt3A_414, %cond3A_368#5, %select_n3A_412 : vector<16xi1>, vector<16xf32>
                %select_n3A_418 = arith.select %lt3A_414, %cond3A_368#15, %select_n3A_413 : vector<16xi1>, vector<16xi32>
                %lt3A_419 = arith.cmpf olt, %select_n3A_417, %cond3A_368#6 : vector<16xf32>
                %select_n3A_420 = arith.select %lt3A_419, %select_n3A_417, %cond3A_368#6 : vector<16xi1>, vector<16xf32>
                %select_n3A_421 = arith.select %lt3A_419, %select_n3A_418, %cond3A_368#16 : vector<16xi1>, vector<16xi32>
                %select_n3A_422 = arith.select %lt3A_419, %cond3A_368#6, %select_n3A_417 : vector<16xi1>, vector<16xf32>
                %select_n3A_423 = arith.select %lt3A_419, %cond3A_368#16, %select_n3A_418 : vector<16xi1>, vector<16xi32>
                %lt3A_424 = arith.cmpf olt, %select_n3A_422, %cond3A_368#7 : vector<16xf32>
                %select_n3A_425 = arith.select %lt3A_424, %select_n3A_422, %cond3A_368#7 : vector<16xi1>, vector<16xf32>
                %select_n3A_426 = arith.select %lt3A_424, %select_n3A_423, %cond3A_368#17 : vector<16xi1>, vector<16xi32>
                %select_n3A_427 = arith.select %lt3A_424, %cond3A_368#7, %select_n3A_422 : vector<16xi1>, vector<16xf32>
                %select_n3A_428 = arith.select %lt3A_424, %cond3A_368#17, %select_n3A_423 : vector<16xi1>, vector<16xi32>
                %lt3A_429 = arith.cmpf olt, %select_n3A_427, %cond3A_368#8 : vector<16xf32>
                %select_n3A_430 = arith.select %lt3A_429, %select_n3A_427, %cond3A_368#8 : vector<16xi1>, vector<16xf32>
                %select_n3A_431 = arith.select %lt3A_429, %select_n3A_428, %cond3A_368#18 : vector<16xi1>, vector<16xi32>
                %select_n3A_432 = arith.select %lt3A_429, %cond3A_368#8, %select_n3A_427 : vector<16xi1>, vector<16xf32>
                %select_n3A_433 = arith.select %lt3A_429, %cond3A_368#18, %select_n3A_428 : vector<16xi1>, vector<16xi32>
                %lt3A_434 = arith.cmpf olt, %select_n3A_432, %cond3A_368#9 : vector<16xf32>
                %select_n3A_435 = arith.select %lt3A_434, %select_n3A_432, %cond3A_368#9 : vector<16xi1>, vector<16xf32>
                %select_n3A_436 = arith.select %lt3A_434, %select_n3A_433, %cond3A_368#19 : vector<16xi1>, vector<16xi32>
                %select_n3A_437 = arith.select %lt3A_434, %cond3A_368#9, %select_n3A_432 : vector<16xi1>, vector<16xf32>
                %select_n3A_438 = arith.select %lt3A_434, %cond3A_368#19, %select_n3A_433 : vector<16xi1>, vector<16xi32>
                scf.yield %select_n3A_390, %select_n3A_395, %select_n3A_400, %select_n3A_405, %select_n3A_410, %select_n3A_415, %select_n3A_420, %select_n3A_425, %select_n3A_430, %select_n3A_435, %select_n3A_391, %select_n3A_396, %select_n3A_401, %select_n3A_406, %select_n3A_411, %select_n3A_416, %select_n3A_421, %select_n3A_426, %select_n3A_431, %select_n3A_436 : vector<16xf32>, vector<16xf32>, vector<16xf32>, vector<16xf32>, vector<16xf32>, vector<16xf32>, vector<16xf32>, vector<16xf32>, vector<16xf32>, vector<16xf32>, vector<16xi32>, vector<16xi32>, vector<16xi32>, vector<16xi32>, vector<16xi32>, vector<16xi32>, vector<16xi32>, vector<16xi32>, vector<16xi32>, vector<16xi32>
              } else {
                scf.yield %cond3A_368#0, %cond3A_368#1, %cond3A_368#2, %cond3A_368#3, %cond3A_368#4, %cond3A_368#5, %cond3A_368#6, %cond3A_368#7, %cond3A_368#8, %cond3A_368#9, %cond3A_368#10, %cond3A_368#11, %cond3A_368#12, %cond3A_368#13, %cond3A_368#14, %cond3A_368#15, %cond3A_368#16, %cond3A_368#17, %cond3A_368#18, %cond3A_368#19 : vector<16xf32>, vector<16xf32>, vector<16xf32>, vector<16xf32>, vector<16xf32>, vector<16xf32>, vector<16xf32>, vector<16xf32>, vector<16xf32>, vector<16xf32>, vector<16xi32>, vector<16xi32>, vector<16xi32>, vector<16xi32>, vector<16xi32>, vector<16xi32>, vector<16xi32>, vector<16xi32>, vector<16xi32>, vector<16xi32>
              }
              scf.yield %cond3A_388#0, %cond3A_388#1, %cond3A_388#2, %cond3A_388#3, %cond3A_388#4, %cond3A_388#5, %cond3A_388#6, %cond3A_388#7, %cond3A_388#8, %cond3A_388#9, %cond3A_388#10, %cond3A_388#11, %cond3A_388#12, %cond3A_388#13, %cond3A_388#14, %cond3A_388#15, %cond3A_388#16, %cond3A_388#17, %cond3A_388#18, %cond3A_388#19 : vector<16xf32>, vector<16xf32>, vector<16xf32>, vector<16xf32>, vector<16xf32>, vector<16xf32>, vector<16xf32>, vector<16xf32>, vector<16xf32>, vector<16xf32>, vector<16xi32>, vector<16xi32>, vector<16xi32>, vector<16xi32>, vector<16xi32>, vector<16xi32>, vector<16xi32>, vector<16xi32>, vector<16xi32>, vector<16xi32>
            }
            %while3A_315 = arith.constant 1 : i32
            %while3A_316:20 = scf.for %while3A_324 = %while3A_312 to %while3A_308 step %while3A_315 iter_args(%while3A_325 = %while3A_314#0, %while3A_326 = %while3A_314#1, %while3A_327 = %while3A_314#2, %while3A_328 = %while3A_314#3, %while3A_329 = %while3A_314#4, %while3A_330 = %while3A_314#5, %while3A_331 = %while3A_314#6, %while3A_332 = %while3A_314#7, %while3A_333 = %while3A_314#8, %while3A_334 = %while3A_314#9, %while3A_335 = %while3A_314#10, %while3A_336 = %while3A_314#11, %while3A_337 = %while3A_314#12, %while3A_338 = %while3A_314#13, %while3A_339 = %while3A_314#14, %while3A_340 = %while3A_314#15, %while3A_341 = %while3A_314#16, %while3A_342 = %while3A_314#17, %while3A_343 = %while3A_314#18, %while3A_344 = %while3A_314#19) -> (vector<16xf32>, vector<16xf32>, vector<16xf32>, vector<16xf32>, vector<16xf32>, vector<16xf32>, vector<16xf32>, vector<16xf32>, vector<16xf32>, vector<16xf32>, vector<16xi32>, vector<16xi32>, vector<16xi32>, vector<16xi32>, vector<16xi32>, vector<16xi32>, vector<16xi32>, vector<16xi32>, vector<16xi32>, vector<16xi32>)  : i32 {
              %mul3A_345 = arith.constant 2 : i32
              %mul3A_346 = arith.muli %mul3A_345, %while3A_324 : i32
              %add3A_347 = arith.addi %sub3A_288, %mul3A_346 : i32
              %add3A_348 = arith.constant 1 : i32
              %add3A_349 = arith.addi %add3A_347, %add3A_348 : i32
              %broadcast_in_dim3A_350 = vector.broadcast %add3A_347 : i32 to vector<16xi32>
              %gather3A_351 = tpu.vector_load_idx %arg22[%iota3A, %broadcast_in_dim3A_350] : memref<16x2048xf32, #tpu.memory_space<vmem>>[vector<16xi32>, vector<16xi32>], vector<16xf32>,
              %add3A_352 = vector.broadcast %multiple_of3A : i32 to vector<16xi32>
              %add3A_353 = arith.addi %broadcast_in_dim3A_350, %add3A_352 : vector<16xi32>
              %lt3A_354 = arith.cmpf olt, %gather3A_351, %while3A_334 : vector<16xf32>
              %reduce_or3A = arith.constant 1.000000e+00 : f32
              %reduce_or3A_355 = arith.constant 0.000000e+00 : f32
              %reduce_or3A_356 = vector.broadcast %reduce_or3A : f32 to vector<16xf32>
              %reduce_or3A_357 = vector.broadcast %reduce_or3A_355 : f32 to vector<16xf32>
              %reduce_or3A_358 = arith.select %lt3A_354, %reduce_or3A_356, %reduce_or3A_357 : vector<16xi1>, vector<16xf32>
              %reduce_or3A_359 = arith.constant true
              %reduce_or3A_360 = vector.broadcast %reduce_or3A_359 : i1 to vector<16xi1>
              %reduce_or3A_361 = tpu.scan <max>, %reduce_or3A_358 masked %reduce_or3A_360 : vector<16xf32>, vector<16xi1> -> vector<16xf32>
              %reduce_or3A_362 = vector.extract %reduce_or3A_361[15] : f32 from vector<16xf32>
              %reduce_or3A_363 = arith.constant 0.000000e+00 : f32
              %reduce_or3A_364 = arith.cmpf ogt, %reduce_or3A_362, %reduce_or3A_363 : f32
              %convert_element_type3A_365 = arith.extui %reduce_or3A_364 : i1 to i32
              %cond3A_366 = arith.constant 0 : i32
              %cond3A_367 = arith.cmpi ne, %convert_element_type3A_365, %cond3A_366 : i32
              %cond3A_368:20 = scf.if %cond3A_367 -> (vector<16xf32>, vector<16xf32>, vector<16xf32>, vector<16xf32>, vector<16xf32>, vector<16xf32>, vector<16xf32>, vector<16xf32>, vector<16xf32>, vector<16xf32>, vector<16xi32>, vector<16xi32>, vector<16xi32>, vector<16xi32>, vector<16xi32>, vector<16xi32>, vector<16xi32>, vector<16xi32>, vector<16xi32>, vector<16xi32>) {
                %lt3A_389 = arith.cmpf olt, %gather3A_351, %while3A_325 : vector<16xf32>
                %select_n3A_390 = arith.select %lt3A_389, %gather3A_351, %while3A_325 : vector<16xi1>, vector<16xf32>
                %select_n3A_391 = arith.select %lt3A_389, %add3A_353, %while3A_335 : vector<16xi1>, vector<16xi32>
                %select_n3A_392 = arith.select %lt3A_389, %while3A_325, %gather3A_351 : vector<16xi1>, vector<16xf32>
                %select_n3A_393 = arith.select %lt3A_389, %while3A_335, %add3A_353 : vector<16xi1>, vector<16xi32>
                %lt3A_394 = arith.cmpf olt, %select_n3A_392, %while3A_326 : vector<16xf32>
                %select_n3A_395 = arith.select %lt3A_394, %select_n3A_392, %while3A_326 : vector<16xi1>, vector<16xf32>
                %select_n3A_396 = arith.select %lt3A_394, %select_n3A_393, %while3A_336 : vector<16xi1>, vector<16xi32>
                %select_n3A_397 = arith.select %lt3A_394, %while3A_326, %select_n3A_392 : vector<16xi1>, vector<16xf32>
                %select_n3A_398 = arith.select %lt3A_394, %while3A_336, %select_n3A_393 : vector<16xi1>, vector<16xi32>
                %lt3A_399 = arith.cmpf olt, %select_n3A_397, %while3A_327 : vector<16xf32>
                %select_n3A_400 = arith.select %lt3A_399, %select_n3A_397, %while3A_327 : vector<16xi1>, vector<16xf32>
                %select_n3A_401 = arith.select %lt3A_399, %select_n3A_398, %while3A_337 : vector<16xi1>, vector<16xi32>
                %select_n3A_402 = arith.select %lt3A_399, %while3A_327, %select_n3A_397 : vector<16xi1>, vector<16xf32>
                %select_n3A_403 = arith.select %lt3A_399, %while3A_337, %select_n3A_398 : vector<16xi1>, vector<16xi32>
                %lt3A_404 = arith.cmpf olt, %select_n3A_402, %while3A_328 : vector<16xf32>
                %select_n3A_405 = arith.select %lt3A_404, %select_n3A_402, %while3A_328 : vector<16xi1>, vector<16xf32>
                %select_n3A_406 = arith.select %lt3A_404, %select_n3A_403, %while3A_338 : vector<16xi1>, vector<16xi32>
                %select_n3A_407 = arith.select %lt3A_404, %while3A_328, %select_n3A_402 : vector<16xi1>, vector<16xf32>
                %select_n3A_408 = arith.select %lt3A_404, %while3A_338, %select_n3A_403 : vector<16xi1>, vector<16xi32>
                %lt3A_409 = arith.cmpf olt, %select_n3A_407, %while3A_329 : vector<16xf32>
                %select_n3A_410 = arith.select %lt3A_409, %select_n3A_407, %while3A_329 : vector<16xi1>, vector<16xf32>
                %select_n3A_411 = arith.select %lt3A_409, %select_n3A_408, %while3A_339 : vector<16xi1>, vector<16xi32>
                %select_n3A_412 = arith.select %lt3A_409, %while3A_329, %select_n3A_407 : vector<16xi1>, vector<16xf32>
                %select_n3A_413 = arith.select %lt3A_409, %while3A_339, %select_n3A_408 : vector<16xi1>, vector<16xi32>
                %lt3A_414 = arith.cmpf olt, %select_n3A_412, %while3A_330 : vector<16xf32>
                %select_n3A_415 = arith.select %lt3A_414, %select_n3A_412, %while3A_330 : vector<16xi1>, vector<16xf32>
                %select_n3A_416 = arith.select %lt3A_414, %select_n3A_413, %while3A_340 : vector<16xi1>, vector<16xi32>
                %select_n3A_417 = arith.select %lt3A_414, %while3A_330, %select_n3A_412 : vector<16xi1>, vector<16xf32>
                %select_n3A_418 = arith.select %lt3A_414, %while3A_340, %select_n3A_413 : vector<16xi1>, vector<16xi32>
                %lt3A_419 = arith.cmpf olt, %select_n3A_417, %while3A_331 : vector<16xf32>
                %select_n3A_420 = arith.select %lt3A_419, %select_n3A_417, %while3A_331 : vector<16xi1>, vector<16xf32>
                %select_n3A_421 = arith.select %lt3A_419, %select_n3A_418, %while3A_341 : vector<16xi1>, vector<16xi32>
                %select_n3A_422 = arith.select %lt3A_419, %while3A_331, %select_n3A_417 : vector<16xi1>, vector<16xf32>
                %select_n3A_423 = arith.select %lt3A_419, %while3A_341, %select_n3A_418 : vector<16xi1>, vector<16xi32>
                %lt3A_424 = arith.cmpf olt, %select_n3A_422, %while3A_332 : vector<16xf32>
                %select_n3A_425 = arith.select %lt3A_424, %select_n3A_422, %while3A_332 : vector<16xi1>, vector<16xf32>
                %select_n3A_426 = arith.select %lt3A_424, %select_n3A_423, %while3A_342 : vector<16xi1>, vector<16xi32>
                %select_n3A_427 = arith.select %lt3A_424, %while3A_332, %select_n3A_422 : vector<16xi1>, vector<16xf32>
                %select_n3A_428 = arith.select %lt3A_424, %while3A_342, %select_n3A_423 : vector<16xi1>, vector<16xi32>
                %lt3A_429 = arith.cmpf olt, %select_n3A_427, %while3A_333 : vector<16xf32>
                %select_n3A_430 = arith.select %lt3A_429, %select_n3A_427, %while3A_333 : vector<16xi1>, vector<16xf32>
                %select_n3A_431 = arith.select %lt3A_429, %select_n3A_428, %while3A_343 : vector<16xi1>, vector<16xi32>
                %select_n3A_432 = arith.select %lt3A_429, %while3A_333, %select_n3A_427 : vector<16xi1>, vector<16xf32>
                %select_n3A_433 = arith.select %lt3A_429, %while3A_343, %select_n3A_428 : vector<16xi1>, vector<16xi32>
                %lt3A_434 = arith.cmpf olt, %select_n3A_432, %while3A_334 : vector<16xf32>
                %select_n3A_435 = arith.select %lt3A_434, %select_n3A_432, %while3A_334 : vector<16xi1>, vector<16xf32>
                %select_n3A_436 = arith.select %lt3A_434, %select_n3A_433, %while3A_344 : vector<16xi1>, vector<16xi32>
                %select_n3A_437 = arith.select %lt3A_434, %while3A_334, %select_n3A_432 : vector<16xi1>, vector<16xf32>
                %select_n3A_438 = arith.select %lt3A_434, %while3A_344, %select_n3A_433 : vector<16xi1>, vector<16xi32>
                scf.yield %select_n3A_390, %select_n3A_395, %select_n3A_400, %select_n3A_405, %select_n3A_410, %select_n3A_415, %select_n3A_420, %select_n3A_425, %select_n3A_430, %select_n3A_435, %select_n3A_391, %select_n3A_396, %select_n3A_401, %select_n3A_406, %select_n3A_411, %select_n3A_416, %select_n3A_421, %select_n3A_426, %select_n3A_431, %select_n3A_436 : vector<16xf32>, vector<16xf32>, vector<16xf32>, vector<16xf32>, vector<16xf32>, vector<16xf32>, vector<16xf32>, vector<16xf32>, vector<16xf32>, vector<16xf32>, vector<16xi32>, vector<16xi32>, vector<16xi32>, vector<16xi32>, vector<16xi32>, vector<16xi32>, vector<16xi32>, vector<16xi32>, vector<16xi32>, vector<16xi32>
              } else {
                scf.yield %while3A_325, %while3A_326, %while3A_327, %while3A_328, %while3A_329, %while3A_330, %while3A_331, %while3A_332, %while3A_333, %while3A_334, %while3A_335, %while3A_336, %while3A_337, %while3A_338, %while3A_339, %while3A_340, %while3A_341, %while3A_342, %while3A_343, %while3A_344 : vector<16xf32>, vector<16xf32>, vector<16xf32>, vector<16xf32>, vector<16xf32>, vector<16xf32>, vector<16xf32>, vector<16xf32>, vector<16xf32>, vector<16xf32>, vector<16xi32>, vector<16xi32>, vector<16xi32>, vector<16xi32>, vector<16xi32>, vector<16xi32>, vector<16xi32>, vector<16xi32>, vector<16xi32>, vector<16xi32>
              }
              %broadcast_in_dim3A_369 = vector.broadcast %add3A_349 : i32 to vector<16xi32>
              %gather3A_370 = tpu.vector_load_idx %arg22[%iota3A, %broadcast_in_dim3A_369] : memref<16x2048xf32, #tpu.memory_space<vmem>>[vector<16xi32>, vector<16xi32>], vector<16xf32>,
              %add3A_371 = vector.broadcast %multiple_of3A : i32 to vector<16xi32>
              %add3A_372 = arith.addi %broadcast_in_dim3A_369, %add3A_371 : vector<16xi32>
              %lt3A_373 = arith.cmpf olt, %gather3A_370, %cond3A_368#9 : vector<16xf32>
              %reduce_or3A_374 = arith.constant 1.000000e+00 : f32
              %reduce_or3A_375 = arith.constant 0.000000e+00 : f32
              %reduce_or3A_376 = vector.broadcast %reduce_or3A_374 : f32 to vector<16xf32>
              %reduce_or3A_377 = vector.broadcast %reduce_or3A_375 : f32 to vector<16xf32>
              %reduce_or3A_378 = arith.select %lt3A_373, %reduce_or3A_376, %reduce_or3A_377 : vector<16xi1>, vector<16xf32>
              %reduce_or3A_379 = arith.constant true
              %reduce_or3A_380 = vector.broadcast %reduce_or3A_379 : i1 to vector<16xi1>
              %reduce_or3A_381 = tpu.scan <max>, %reduce_or3A_378 masked %reduce_or3A_380 : vector<16xf32>, vector<16xi1> -> vector<16xf32>
              %reduce_or3A_382 = vector.extract %reduce_or3A_381[15] : f32 from vector<16xf32>
              %reduce_or3A_383 = arith.constant 0.000000e+00 : f32
              %reduce_or3A_384 = arith.cmpf ogt, %reduce_or3A_382, %reduce_or3A_383 : f32
              %convert_element_type3A_385 = arith.extui %reduce_or3A_384 : i1 to i32
              %cond3A_386 = arith.constant 0 : i32
              %cond3A_387 = arith.cmpi ne, %convert_element_type3A_385, %cond3A_386 : i32
              %cond3A_388:20 = scf.if %cond3A_387 -> (vector<16xf32>, vector<16xf32>, vector<16xf32>, vector<16xf32>, vector<16xf32>, vector<16xf32>, vector<16xf32>, vector<16xf32>, vector<16xf32>, vector<16xf32>, vector<16xi32>, vector<16xi32>, vector<16xi32>, vector<16xi32>, vector<16xi32>, vector<16xi32>, vector<16xi32>, vector<16xi32>, vector<16xi32>, vector<16xi32>) {
                %lt3A_389 = arith.cmpf olt, %gather3A_370, %cond3A_368#0 : vector<16xf32>
                %select_n3A_390 = arith.select %lt3A_389, %gather3A_370, %cond3A_368#0 : vector<16xi1>, vector<16xf32>
                %select_n3A_391 = arith.select %lt3A_389, %add3A_372, %cond3A_368#10 : vector<16xi1>, vector<16xi32>
                %select_n3A_392 = arith.select %lt3A_389, %cond3A_368#0, %gather3A_370 : vector<16xi1>, vector<16xf32>
                %select_n3A_393 = arith.select %lt3A_389, %cond3A_368#10, %add3A_372 : vector<16xi1>, vector<16xi32>
                %lt3A_394 = arith.cmpf olt, %select_n3A_392, %cond3A_368#1 : vector<16xf32>
                %select_n3A_395 = arith.select %lt3A_394, %select_n3A_392, %cond3A_368#1 : vector<16xi1>, vector<16xf32>
                %select_n3A_396 = arith.select %lt3A_394, %select_n3A_393, %cond3A_368#11 : vector<16xi1>, vector<16xi32>
                %select_n3A_397 = arith.select %lt3A_394, %cond3A_368#1, %select_n3A_392 : vector<16xi1>, vector<16xf32>
                %select_n3A_398 = arith.select %lt3A_394, %cond3A_368#11, %select_n3A_393 : vector<16xi1>, vector<16xi32>
                %lt3A_399 = arith.cmpf olt, %select_n3A_397, %cond3A_368#2 : vector<16xf32>
                %select_n3A_400 = arith.select %lt3A_399, %select_n3A_397, %cond3A_368#2 : vector<16xi1>, vector<16xf32>
                %select_n3A_401 = arith.select %lt3A_399, %select_n3A_398, %cond3A_368#12 : vector<16xi1>, vector<16xi32>
                %select_n3A_402 = arith.select %lt3A_399, %cond3A_368#2, %select_n3A_397 : vector<16xi1>, vector<16xf32>
                %select_n3A_403 = arith.select %lt3A_399, %cond3A_368#12, %select_n3A_398 : vector<16xi1>, vector<16xi32>
                %lt3A_404 = arith.cmpf olt, %select_n3A_402, %cond3A_368#3 : vector<16xf32>
                %select_n3A_405 = arith.select %lt3A_404, %select_n3A_402, %cond3A_368#3 : vector<16xi1>, vector<16xf32>
                %select_n3A_406 = arith.select %lt3A_404, %select_n3A_403, %cond3A_368#13 : vector<16xi1>, vector<16xi32>
                %select_n3A_407 = arith.select %lt3A_404, %cond3A_368#3, %select_n3A_402 : vector<16xi1>, vector<16xf32>
                %select_n3A_408 = arith.select %lt3A_404, %cond3A_368#13, %select_n3A_403 : vector<16xi1>, vector<16xi32>
                %lt3A_409 = arith.cmpf olt, %select_n3A_407, %cond3A_368#4 : vector<16xf32>
                %select_n3A_410 = arith.select %lt3A_409, %select_n3A_407, %cond3A_368#4 : vector<16xi1>, vector<16xf32>
                %select_n3A_411 = arith.select %lt3A_409, %select_n3A_408, %cond3A_368#14 : vector<16xi1>, vector<16xi32>
                %select_n3A_412 = arith.select %lt3A_409, %cond3A_368#4, %select_n3A_407 : vector<16xi1>, vector<16xf32>
                %select_n3A_413 = arith.select %lt3A_409, %cond3A_368#14, %select_n3A_408 : vector<16xi1>, vector<16xi32>
                %lt3A_414 = arith.cmpf olt, %select_n3A_412, %cond3A_368#5 : vector<16xf32>
                %select_n3A_415 = arith.select %lt3A_414, %select_n3A_412, %cond3A_368#5 : vector<16xi1>, vector<16xf32>
                %select_n3A_416 = arith.select %lt3A_414, %select_n3A_413, %cond3A_368#15 : vector<16xi1>, vector<16xi32>
                %select_n3A_417 = arith.select %lt3A_414, %cond3A_368#5, %select_n3A_412 : vector<16xi1>, vector<16xf32>
                %select_n3A_418 = arith.select %lt3A_414, %cond3A_368#15, %select_n3A_413 : vector<16xi1>, vector<16xi32>
                %lt3A_419 = arith.cmpf olt, %select_n3A_417, %cond3A_368#6 : vector<16xf32>
                %select_n3A_420 = arith.select %lt3A_419, %select_n3A_417, %cond3A_368#6 : vector<16xi1>, vector<16xf32>
                %select_n3A_421 = arith.select %lt3A_419, %select_n3A_418, %cond3A_368#16 : vector<16xi1>, vector<16xi32>
                %select_n3A_422 = arith.select %lt3A_419, %cond3A_368#6, %select_n3A_417 : vector<16xi1>, vector<16xf32>
                %select_n3A_423 = arith.select %lt3A_419, %cond3A_368#16, %select_n3A_418 : vector<16xi1>, vector<16xi32>
                %lt3A_424 = arith.cmpf olt, %select_n3A_422, %cond3A_368#7 : vector<16xf32>
                %select_n3A_425 = arith.select %lt3A_424, %select_n3A_422, %cond3A_368#7 : vector<16xi1>, vector<16xf32>
                %select_n3A_426 = arith.select %lt3A_424, %select_n3A_423, %cond3A_368#17 : vector<16xi1>, vector<16xi32>
                %select_n3A_427 = arith.select %lt3A_424, %cond3A_368#7, %select_n3A_422 : vector<16xi1>, vector<16xf32>
                %select_n3A_428 = arith.select %lt3A_424, %cond3A_368#17, %select_n3A_423 : vector<16xi1>, vector<16xi32>
                %lt3A_429 = arith.cmpf olt, %select_n3A_427, %cond3A_368#8 : vector<16xf32>
                %select_n3A_430 = arith.select %lt3A_429, %select_n3A_427, %cond3A_368#8 : vector<16xi1>, vector<16xf32>
                %select_n3A_431 = arith.select %lt3A_429, %select_n3A_428, %cond3A_368#18 : vector<16xi1>, vector<16xi32>
                %select_n3A_432 = arith.select %lt3A_429, %cond3A_368#8, %select_n3A_427 : vector<16xi1>, vector<16xf32>
                %select_n3A_433 = arith.select %lt3A_429, %cond3A_368#18, %select_n3A_428 : vector<16xi1>, vector<16xi32>
                %lt3A_434 = arith.cmpf olt, %select_n3A_432, %cond3A_368#9 : vector<16xf32>
                %select_n3A_435 = arith.select %lt3A_434, %select_n3A_432, %cond3A_368#9 : vector<16xi1>, vector<16xf32>
                %select_n3A_436 = arith.select %lt3A_434, %select_n3A_433, %cond3A_368#19 : vector<16xi1>, vector<16xi32>
                %select_n3A_437 = arith.select %lt3A_434, %cond3A_368#9, %select_n3A_432 : vector<16xi1>, vector<16xf32>
                %select_n3A_438 = arith.select %lt3A_434, %cond3A_368#19, %select_n3A_433 : vector<16xi1>, vector<16xi32>
                scf.yield %select_n3A_390, %select_n3A_395, %select_n3A_400, %select_n3A_405, %select_n3A_410, %select_n3A_415, %select_n3A_420, %select_n3A_425, %select_n3A_430, %select_n3A_435, %select_n3A_391, %select_n3A_396, %select_n3A_401, %select_n3A_406, %select_n3A_411, %select_n3A_416, %select_n3A_421, %select_n3A_426, %select_n3A_431, %select_n3A_436 : vector<16xf32>, vector<16xf32>, vector<16xf32>, vector<16xf32>, vector<16xf32>, vector<16xf32>, vector<16xf32>, vector<16xf32>, vector<16xf32>, vector<16xf32>, vector<16xi32>, vector<16xi32>, vector<16xi32>, vector<16xi32>, vector<16xi32>, vector<16xi32>, vector<16xi32>, vector<16xi32>, vector<16xi32>, vector<16xi32>
              } else {
                scf.yield %cond3A_368#0, %cond3A_368#1, %cond3A_368#2, %cond3A_368#3, %cond3A_368#4, %cond3A_368#5, %cond3A_368#6, %cond3A_368#7, %cond3A_368#8, %cond3A_368#9, %cond3A_368#10, %cond3A_368#11, %cond3A_368#12, %cond3A_368#13, %cond3A_368#14, %cond3A_368#15, %cond3A_368#16, %cond3A_368#17, %cond3A_368#18, %cond3A_368#19 : vector<16xf32>, vector<16xf32>, vector<16xf32>, vector<16xf32>, vector<16xf32>, vector<16xf32>, vector<16xf32>, vector<16xf32>, vector<16xf32>, vector<16xf32>, vector<16xi32>, vector<16xi32>, vector<16xi32>, vector<16xi32>, vector<16xi32>, vector<16xi32>, vector<16xi32>, vector<16xi32>, vector<16xi32>, vector<16xi32>
              }
              scf.yield %cond3A_388#0, %cond3A_388#1, %cond3A_388#2, %cond3A_388#3, %cond3A_388#4, %cond3A_388#5, %cond3A_388#6, %cond3A_388#7, %cond3A_388#8, %cond3A_388#9, %cond3A_388#10, %cond3A_388#11, %cond3A_388#12, %cond3A_388#13, %cond3A_388#14, %cond3A_388#15, %cond3A_388#16, %cond3A_388#17, %cond3A_388#18, %cond3A_388#19 : vector<16xf32>, vector<16xf32>, vector<16xf32>, vector<16xf32>, vector<16xf32>, vector<16xf32>, vector<16xf32>, vector<16xf32>, vector<16xf32>, vector<16xf32>, vector<16xi32>, vector<16xi32>, vector<16xi32>, vector<16xi32>, vector<16xi32>, vector<16xi32>, vector<16xi32>, vector<16xi32>, vector<16xi32>, vector<16xi32>
            }
            %and3A_317 = arith.constant 1 : i32
            %and3A_318 = arith.andi %sub3A, %and3A_317 : i32
            %eq3A = arith.constant 1 : i32
            %eq3A_319 = arith.cmpi eq, %and3A_318, %eq3A : i32
            %convert_element_type3A_320 = arith.extui %eq3A_319 : i1 to i32
            %cond3A_321 = arith.constant 0 : i32
            %cond3A_322 = arith.cmpi ne, %convert_element_type3A_320, %cond3A_321 : i32
            %cond3A_323:20 = scf.if %cond3A_322 -> (vector<16xf32>, vector<16xf32>, vector<16xf32>, vector<16xf32>, vector<16xf32>, vector<16xf32>, vector<16xf32>, vector<16xf32>, vector<16xf32>, vector<16xf32>, vector<16xi32>, vector<16xi32>, vector<16xi32>, vector<16xi32>, vector<16xi32>, vector<16xi32>, vector<16xi32>, vector<16xi32>, vector<16xi32>, vector<16xi32>) {
              %sub3A_324 = arith.subi %min3A_282, %multiple_of3A : i32
              %sub3A_325 = arith.constant 1 : i32
              %sub3A_326 = arith.subi %sub3A_324, %sub3A_325 : i32
              %broadcast_in_dim3A_327 = vector.broadcast %sub3A_326 : i32 to vector<16xi32>
              %gather3A_328 = tpu.vector_load_idx %arg22[%iota3A, %broadcast_in_dim3A_327] : memref<16x2048xf32, #tpu.memory_space<vmem>>[vector<16xi32>, vector<16xi32>], vector<16xf32>,
              %add3A_329 = vector.broadcast %multiple_of3A : i32 to vector<16xi32>
              %add3A_330 = arith.addi %broadcast_in_dim3A_327, %add3A_329 : vector<16xi32>
              %lt3A_331 = arith.cmpf olt, %gather3A_328, %while3A_316#9 : vector<16xf32>
              %reduce_or3A = arith.constant 1.000000e+00 : f32
              %reduce_or3A_332 = arith.constant 0.000000e+00 : f32
              %reduce_or3A_333 = vector.broadcast %reduce_or3A : f32 to vector<16xf32>
              %reduce_or3A_334 = vector.broadcast %reduce_or3A_332 : f32 to vector<16xf32>
              %reduce_or3A_335 = arith.select %lt3A_331, %reduce_or3A_333, %reduce_or3A_334 : vector<16xi1>, vector<16xf32>
              %reduce_or3A_336 = arith.constant true
              %reduce_or3A_337 = vector.broadcast %reduce_or3A_336 : i1 to vector<16xi1>
              %reduce_or3A_338 = tpu.scan <max>, %reduce_or3A_335 masked %reduce_or3A_337 : vector<16xf32>, vector<16xi1> -> vector<16xf32>
              %reduce_or3A_339 = vector.extract %reduce_or3A_338[15] : f32 from vector<16xf32>
              %reduce_or3A_340 = arith.constant 0.000000e+00 : f32
              %reduce_or3A_341 = arith.cmpf ogt, %reduce_or3A_339, %reduce_or3A_340 : f32
              %convert_element_type3A_342 = arith.extui %reduce_or3A_341 : i1 to i32
              %cond3A_343 = arith.constant 0 : i32
              %cond3A_344 = arith.cmpi ne, %convert_element_type3A_342, %cond3A_343 : i32
              %cond3A_345:20 = scf.if %cond3A_344 -> (vector<16xf32>, vector<16xf32>, vector<16xf32>, vector<16xf32>, vector<16xf32>, vector<16xf32>, vector<16xf32>, vector<16xf32>, vector<16xf32>, vector<16xf32>, vector<16xi32>, vector<16xi32>, vector<16xi32>, vector<16xi32>, vector<16xi32>, vector<16xi32>, vector<16xi32>, vector<16xi32>, vector<16xi32>, vector<16xi32>) {
                %lt3A_346 = arith.cmpf olt, %gather3A_328, %while3A_316#0 : vector<16xf32>
                %select_n3A_347 = arith.select %lt3A_346, %gather3A_328, %while3A_316#0 : vector<16xi1>, vector<16xf32>
                %select_n3A_348 = arith.select %lt3A_346, %add3A_330, %while3A_316#10 : vector<16xi1>, vector<16xi32>
                %select_n3A_349 = arith.select %lt3A_346, %while3A_316#0, %gather3A_328 : vector<16xi1>, vector<16xf32>
                %select_n3A_350 = arith.select %lt3A_346, %while3A_316#10, %add3A_330 : vector<16xi1>, vector<16xi32>
                %lt3A_351 = arith.cmpf olt, %select_n3A_349, %while3A_316#1 : vector<16xf32>
                %select_n3A_352 = arith.select %lt3A_351, %select_n3A_349, %while3A_316#1 : vector<16xi1>, vector<16xf32>
                %select_n3A_353 = arith.select %lt3A_351, %select_n3A_350, %while3A_316#11 : vector<16xi1>, vector<16xi32>
                %select_n3A_354 = arith.select %lt3A_351, %while3A_316#1, %select_n3A_349 : vector<16xi1>, vector<16xf32>
                %select_n3A_355 = arith.select %lt3A_351, %while3A_316#11, %select_n3A_350 : vector<16xi1>, vector<16xi32>
                %lt3A_356 = arith.cmpf olt, %select_n3A_354, %while3A_316#2 : vector<16xf32>
                %select_n3A_357 = arith.select %lt3A_356, %select_n3A_354, %while3A_316#2 : vector<16xi1>, vector<16xf32>
                %select_n3A_358 = arith.select %lt3A_356, %select_n3A_355, %while3A_316#12 : vector<16xi1>, vector<16xi32>
                %select_n3A_359 = arith.select %lt3A_356, %while3A_316#2, %select_n3A_354 : vector<16xi1>, vector<16xf32>
                %select_n3A_360 = arith.select %lt3A_356, %while3A_316#12, %select_n3A_355 : vector<16xi1>, vector<16xi32>
                %lt3A_361 = arith.cmpf olt, %select_n3A_359, %while3A_316#3 : vector<16xf32>
                %select_n3A_362 = arith.select %lt3A_361, %select_n3A_359, %while3A_316#3 : vector<16xi1>, vector<16xf32>
                %select_n3A_363 = arith.select %lt3A_361, %select_n3A_360, %while3A_316#13 : vector<16xi1>, vector<16xi32>
                %select_n3A_364 = arith.select %lt3A_361, %while3A_316#3, %select_n3A_359 : vector<16xi1>, vector<16xf32>
                %select_n3A_365 = arith.select %lt3A_361, %while3A_316#13, %select_n3A_360 : vector<16xi1>, vector<16xi32>
                %lt3A_366 = arith.cmpf olt, %select_n3A_364, %while3A_316#4 : vector<16xf32>
                %select_n3A_367 = arith.select %lt3A_366, %select_n3A_364, %while3A_316#4 : vector<16xi1>, vector<16xf32>
                %select_n3A_368 = arith.select %lt3A_366, %select_n3A_365, %while3A_316#14 : vector<16xi1>, vector<16xi32>
                %select_n3A_369 = arith.select %lt3A_366, %while3A_316#4, %select_n3A_364 : vector<16xi1>, vector<16xf32>
                %select_n3A_370 = arith.select %lt3A_366, %while3A_316#14, %select_n3A_365 : vector<16xi1>, vector<16xi32>
                %lt3A_371 = arith.cmpf olt, %select_n3A_369, %while3A_316#5 : vector<16xf32>
                %select_n3A_372 = arith.select %lt3A_371, %select_n3A_369, %while3A_316#5 : vector<16xi1>, vector<16xf32>
                %select_n3A_373 = arith.select %lt3A_371, %select_n3A_370, %while3A_316#15 : vector<16xi1>, vector<16xi32>
                %select_n3A_374 = arith.select %lt3A_371, %while3A_316#5, %select_n3A_369 : vector<16xi1>, vector<16xf32>
                %select_n3A_375 = arith.select %lt3A_371, %while3A_316#15, %select_n3A_370 : vector<16xi1>, vector<16xi32>
                %lt3A_376 = arith.cmpf olt, %select_n3A_374, %while3A_316#6 : vector<16xf32>
                %select_n3A_377 = arith.select %lt3A_376, %select_n3A_374, %while3A_316#6 : vector<16xi1>, vector<16xf32>
                %select_n3A_378 = arith.select %lt3A_376, %select_n3A_375, %while3A_316#16 : vector<16xi1>, vector<16xi32>
                %select_n3A_379 = arith.select %lt3A_376, %while3A_316#6, %select_n3A_374 : vector<16xi1>, vector<16xf32>
                %select_n3A_380 = arith.select %lt3A_376, %while3A_316#16, %select_n3A_375 : vector<16xi1>, vector<16xi32>
                %lt3A_381 = arith.cmpf olt, %select_n3A_379, %while3A_316#7 : vector<16xf32>
                %select_n3A_382 = arith.select %lt3A_381, %select_n3A_379, %while3A_316#7 : vector<16xi1>, vector<16xf32>
                %select_n3A_383 = arith.select %lt3A_381, %select_n3A_380, %while3A_316#17 : vector<16xi1>, vector<16xi32>
                %select_n3A_384 = arith.select %lt3A_381, %while3A_316#7, %select_n3A_379 : vector<16xi1>, vector<16xf32>
                %select_n3A_385 = arith.select %lt3A_381, %while3A_316#17, %select_n3A_380 : vector<16xi1>, vector<16xi32>
                %lt3A_386 = arith.cmpf olt, %select_n3A_384, %while3A_316#8 : vector<16xf32>
                %select_n3A_387 = arith.select %lt3A_386, %select_n3A_384, %while3A_316#8 : vector<16xi1>, vector<16xf32>
                %select_n3A_388 = arith.select %lt3A_386, %select_n3A_385, %while3A_316#18 : vector<16xi1>, vector<16xi32>
                %select_n3A_389 = arith.select %lt3A_386, %while3A_316#8, %select_n3A_384 : vector<16xi1>, vector<16xf32>
                %select_n3A_390 = arith.select %lt3A_386, %while3A_316#18, %select_n3A_385 : vector<16xi1>, vector<16xi32>
                %lt3A_391 = arith.cmpf olt, %select_n3A_389, %while3A_316#9 : vector<16xf32>
                %select_n3A_392 = arith.select %lt3A_391, %select_n3A_389, %while3A_316#9 : vector<16xi1>, vector<16xf32>
                %select_n3A_393 = arith.select %lt3A_391, %select_n3A_390, %while3A_316#19 : vector<16xi1>, vector<16xi32>
                %select_n3A_394 = arith.select %lt3A_391, %while3A_316#9, %select_n3A_389 : vector<16xi1>, vector<16xf32>
                %select_n3A_395 = arith.select %lt3A_391, %while3A_316#19, %select_n3A_390 : vector<16xi1>, vector<16xi32>
                scf.yield %select_n3A_347, %select_n3A_352, %select_n3A_357, %select_n3A_362, %select_n3A_367, %select_n3A_372, %select_n3A_377, %select_n3A_382, %select_n3A_387, %select_n3A_392, %select_n3A_348, %select_n3A_353, %select_n3A_358, %select_n3A_363, %select_n3A_368, %select_n3A_373, %select_n3A_378, %select_n3A_383, %select_n3A_388, %select_n3A_393 : vector<16xf32>, vector<16xf32>, vector<16xf32>, vector<16xf32>, vector<16xf32>, vector<16xf32>, vector<16xf32>, vector<16xf32>, vector<16xf32>, vector<16xf32>, vector<16xi32>, vector<16xi32>, vector<16xi32>, vector<16xi32>, vector<16xi32>, vector<16xi32>, vector<16xi32>, vector<16xi32>, vector<16xi32>, vector<16xi32>
              } else {
                scf.yield %while3A_316#0, %while3A_316#1, %while3A_316#2, %while3A_316#3, %while3A_316#4, %while3A_316#5, %while3A_316#6, %while3A_316#7, %while3A_316#8, %while3A_316#9, %while3A_316#10, %while3A_316#11, %while3A_316#12, %while3A_316#13, %while3A_316#14, %while3A_316#15, %while3A_316#16, %while3A_316#17, %while3A_316#18, %while3A_316#19 : vector<16xf32>, vector<16xf32>, vector<16xf32>, vector<16xf32>, vector<16xf32>, vector<16xf32>, vector<16xf32>, vector<16xf32>, vector<16xf32>, vector<16xf32>, vector<16xi32>, vector<16xi32>, vector<16xi32>, vector<16xi32>, vector<16xi32>, vector<16xi32>, vector<16xi32>, vector<16xi32>, vector<16xi32>, vector<16xi32>
              }
              scf.yield %cond3A_345#0, %cond3A_345#1, %cond3A_345#2, %cond3A_345#3, %cond3A_345#4, %cond3A_345#5, %cond3A_345#6, %cond3A_345#7, %cond3A_345#8, %cond3A_345#9, %cond3A_345#10, %cond3A_345#11, %cond3A_345#12, %cond3A_345#13, %cond3A_345#14, %cond3A_345#15, %cond3A_345#16, %cond3A_345#17, %cond3A_345#18, %cond3A_345#19 : vector<16xf32>, vector<16xf32>, vector<16xf32>, vector<16xf32>, vector<16xf32>, vector<16xf32>, vector<16xf32>, vector<16xf32>, vector<16xf32>, vector<16xf32>, vector<16xi32>, vector<16xi32>, vector<16xi32>, vector<16xi32>, vector<16xi32>, vector<16xi32>, vector<16xi32>, vector<16xi32>, vector<16xi32>, vector<16xi32>
            } else {
              scf.yield %while3A_316#0, %while3A_316#1, %while3A_316#2, %while3A_316#3, %while3A_316#4, %while3A_316#5, %while3A_316#6, %while3A_316#7, %while3A_316#8, %while3A_316#9, %while3A_316#10, %while3A_316#11, %while3A_316#12, %while3A_316#13, %while3A_316#14, %while3A_316#15, %while3A_316#16, %while3A_316#17, %while3A_316#18, %while3A_316#19 : vector<16xf32>, vector<16xf32>, vector<16xf32>, vector<16xf32>, vector<16xf32>, vector<16xf32>, vector<16xf32>, vector<16xf32>, vector<16xf32>, vector<16xf32>, vector<16xi32>, vector<16xi32>, vector<16xi32>, vector<16xi32>, vector<16xi32>, vector<16xi32>, vector<16xi32>, vector<16xi32>, vector<16xi32>, vector<16xi32>
            }
            scf.yield %cond3A_323#0, %cond3A_323#1, %cond3A_323#2, %cond3A_323#3, %cond3A_323#4, %cond3A_323#5, %cond3A_323#6, %cond3A_323#7, %cond3A_323#8, %cond3A_323#9, %cond3A_323#10, %cond3A_323#11, %cond3A_323#12, %cond3A_323#13, %cond3A_323#14, %cond3A_323#15, %cond3A_323#16, %cond3A_323#17, %cond3A_323#18, %cond3A_323#19 : vector<16xf32>, vector<16xf32>, vector<16xf32>, vector<16xf32>, vector<16xf32>, vector<16xf32>, vector<16xf32>, vector<16xf32>, vector<16xf32>, vector<16xf32>, vector<16xi32>, vector<16xi32>, vector<16xi32>, vector<16xi32>, vector<16xi32>, vector<16xi32>, vector<16xi32>, vector<16xi32>, vector<16xi32>, vector<16xi32>
          } else {
            scf.yield %scan3A_255, %scan3A_256, %scan3A_257, %scan3A_258, %scan3A_259, %scan3A_260, %scan3A_261, %scan3A_262, %scan3A_263, %scan3A_264, %scan3A_265, %scan3A_266, %scan3A_267, %scan3A_268, %scan3A_269, %scan3A_270, %scan3A_271, %scan3A_272, %scan3A_273, %scan3A_274 : vector<16xf32>, vector<16xf32>, vector<16xf32>, vector<16xf32>, vector<16xf32>, vector<16xf32>, vector<16xf32>, vector<16xf32>, vector<16xf32>, vector<16xf32>, vector<16xi32>, vector<16xi32>, vector<16xi32>, vector<16xi32>, vector<16xi32>, vector<16xi32>, vector<16xi32>, vector<16xi32>, vector<16xi32>, vector<16xi32>
          }
          scf.yield %cond3A_287#0, %cond3A_287#1, %cond3A_287#2, %cond3A_287#3, %cond3A_287#4, %cond3A_287#5, %cond3A_287#6, %cond3A_287#7, %cond3A_287#8, %cond3A_287#9, %cond3A_287#10, %cond3A_287#11, %cond3A_287#12, %cond3A_287#13, %cond3A_287#14, %cond3A_287#15, %cond3A_287#16, %cond3A_287#17, %cond3A_287#18, %cond3A_287#19 : vector<16xf32>, vector<16xf32>, vector<16xf32>, vector<16xf32>, vector<16xf32>, vector<16xf32>, vector<16xf32>, vector<16xf32>, vector<16xf32>, vector<16xf32>, vector<16xi32>, vector<16xi32>, vector<16xi32>, vector<16xi32>, vector<16xi32>, vector<16xi32>, vector<16xi32>, vector<16xi32>, vector<16xi32>, vector<16xi32>
        }
        %scan3A_62 = arith.constant 6 : i32
        %broadcast_in_dim3A_63 = arith.constant 0.000000e+00 : f32
        %broadcast_in_dim3A_64 = vector.broadcast %broadcast_in_dim3A_63 : f32 to vector<16xf32>
        %mul3A_65 = arith.constant -1.000000e+01 : f32
        %mul3A_66 = vector.broadcast %mul3A_65 : f32 to vector<16xf32>
        %mul3A_67 = arith.mulf %mul3A_66, %scan3A_61#0 : vector<16xf32>
        %exp3A = math.exp %mul3A_67 : vector<16xf32>
        %gather3A_68 = tpu.vector_load_idx %arg13[%scan3A_61#10] : memref<10000xf32, #tpu.memory_space<vmem>>[vector<16xi32>], vector<16xf32>,
        %mul3A_69 = arith.mulf %gather3A_68, %exp3A : vector<16xf32>
        %gather3A_70 = tpu.vector_load_idx %arg14[%scan3A_61#10] : memref<10000xf32, #tpu.memory_space<vmem>>[vector<16xi32>], vector<16xf32>,
        %mul3A_71 = arith.mulf %gather3A_70, %exp3A : vector<16xf32>
        %gather3A_72 = tpu.vector_load_idx %arg15[%scan3A_61#10] : memref<10000xf32, #tpu.memory_space<vmem>>[vector<16xi32>], vector<16xf32>,
        %mul3A_73 = arith.mulf %gather3A_72, %exp3A : vector<16xf32>
        %add3A_74 = arith.addf %broadcast_in_dim3A_64, %mul3A_69 : vector<16xf32>
        %add3A_75 = arith.addf %broadcast_in_dim3A_64, %mul3A_71 : vector<16xf32>
        %add3A_76 = arith.addf %broadcast_in_dim3A_64, %mul3A_73 : vector<16xf32>
        %mul3A_77 = arith.constant -1.000000e+01 : f32
        %mul3A_78 = vector.broadcast %mul3A_77 : f32 to vector<16xf32>
        %mul3A_79 = arith.mulf %mul3A_78, %scan3A_61#1 : vector<16xf32>
        %exp3A_80 = math.exp %mul3A_79 : vector<16xf32>
        %gather3A_81 = tpu.vector_load_idx %arg13[%scan3A_61#11] : memref<10000xf32, #tpu.memory_space<vmem>>[vector<16xi32>], vector<16xf32>,
        %mul3A_82 = arith.mulf %gather3A_81, %exp3A_80 : vector<16xf32>
        %gather3A_83 = tpu.vector_load_idx %arg14[%scan3A_61#11] : memref<10000xf32, #tpu.memory_space<vmem>>[vector<16xi32>], vector<16xf32>,
        %mul3A_84 = arith.mulf %gather3A_83, %exp3A_80 : vector<16xf32>
        %gather3A_85 = tpu.vector_load_idx %arg15[%scan3A_61#11] : memref<10000xf32, #tpu.memory_space<vmem>>[vector<16xi32>], vector<16xf32>,
        %mul3A_86 = arith.mulf %gather3A_85, %exp3A_80 : vector<16xf32>
        %add3A_87 = arith.addf %add3A_74, %mul3A_82 : vector<16xf32>
        %add3A_88 = arith.addf %add3A_75, %mul3A_84 : vector<16xf32>
        %add3A_89 = arith.addf %add3A_76, %mul3A_86 : vector<16xf32>
        %max3A = arith.maximumf %mul3A_69, %mul3A_82 : vector<16xf32>
        %max3A_90 = arith.maximumf %mul3A_71, %mul3A_84 : vector<16xf32>
        %max3A_91 = arith.maximumf %mul3A_73, %mul3A_86 : vector<16xf32>
        %mul3A_92 = arith.constant -1.000000e+01 : f32
        %mul3A_93 = vector.broadcast %mul3A_92 : f32 to vector<16xf32>
        %mul3A_94 = arith.mulf %mul3A_93, %scan3A_61#2 : vector<16xf32>
        %exp3A_95 = math.exp %mul3A_94 : vector<16xf32>
        %gather3A_96 = tpu.vector_load_idx %arg13[%scan3A_61#12] : memref<10000xf32, #tpu.memory_space<vmem>>[vector<16xi32>], vector<16xf32>,
        %mul3A_97 = arith.mulf %gather3A_96, %exp3A_95 : vector<16xf32>
        %gather3A_98 = tpu.vector_load_idx %arg14[%scan3A_61#12] : memref<10000xf32, #tpu.memory_space<vmem>>[vector<16xi32>], vector<16xf32>,
        %mul3A_99 = arith.mulf %gather3A_98, %exp3A_95 : vector<16xf32>
        %gather3A_100 = tpu.vector_load_idx %arg15[%scan3A_61#12] : memref<10000xf32, #tpu.memory_space<vmem>>[vector<16xi32>], vector<16xf32>,
        %mul3A_101 = arith.mulf %gather3A_100, %exp3A_95 : vector<16xf32>
        %add3A_102 = arith.addf %add3A_87, %mul3A_97 : vector<16xf32>
        %add3A_103 = arith.addf %add3A_88, %mul3A_99 : vector<16xf32>
        %add3A_104 = arith.addf %add3A_89, %mul3A_101 : vector<16xf32>
        %max3A_105 = arith.maximumf %max3A, %mul3A_97 : vector<16xf32>
        %max3A_106 = arith.maximumf %max3A_90, %mul3A_99 : vector<16xf32>
        %max3A_107 = arith.maximumf %max3A_91, %mul3A_101 : vector<16xf32>
        %mul3A_108 = arith.constant -1.000000e+01 : f32
        %mul3A_109 = vector.broadcast %mul3A_108 : f32 to vector<16xf32>
        %mul3A_110 = arith.mulf %mul3A_109, %scan3A_61#3 : vector<16xf32>
        %exp3A_111 = math.exp %mul3A_110 : vector<16xf32>
        %gather3A_112 = tpu.vector_load_idx %arg13[%scan3A_61#13] : memref<10000xf32, #tpu.memory_space<vmem>>[vector<16xi32>], vector<16xf32>,
        %mul3A_113 = arith.mulf %gather3A_112, %exp3A_111 : vector<16xf32>
        %gather3A_114 = tpu.vector_load_idx %arg14[%scan3A_61#13] : memref<10000xf32, #tpu.memory_space<vmem>>[vector<16xi32>], vector<16xf32>,
        %mul3A_115 = arith.mulf %gather3A_114, %exp3A_111 : vector<16xf32>
        %gather3A_116 = tpu.vector_load_idx %arg15[%scan3A_61#13] : memref<10000xf32, #tpu.memory_space<vmem>>[vector<16xi32>], vector<16xf32>,
        %mul3A_117 = arith.mulf %gather3A_116, %exp3A_111 : vector<16xf32>
        %add3A_118 = arith.addf %add3A_102, %mul3A_113 : vector<16xf32>
        %add3A_119 = arith.addf %add3A_103, %mul3A_115 : vector<16xf32>
        %add3A_120 = arith.addf %add3A_104, %mul3A_117 : vector<16xf32>
        %max3A_121 = arith.maximumf %max3A_105, %mul3A_113 : vector<16xf32>
        %max3A_122 = arith.maximumf %max3A_106, %mul3A_115 : vector<16xf32>
        %max3A_123 = arith.maximumf %max3A_107, %mul3A_117 : vector<16xf32>
        %mul3A_124 = arith.constant -1.000000e+01 : f32
        %mul3A_125 = vector.broadcast %mul3A_124 : f32 to vector<16xf32>
        %mul3A_126 = arith.mulf %mul3A_125, %scan3A_61#4 : vector<16xf32>
        %exp3A_127 = math.exp %mul3A_126 : vector<16xf32>
        %gather3A_128 = tpu.vector_load_idx %arg13[%scan3A_61#14] : memref<10000xf32, #tpu.memory_space<vmem>>[vector<16xi32>], vector<16xf32>,
        %mul3A_129 = arith.mulf %gather3A_128, %exp3A_127 : vector<16xf32>
        %gather3A_130 = tpu.vector_load_idx %arg14[%scan3A_61#14] : memref<10000xf32, #tpu.memory_space<vmem>>[vector<16xi32>], vector<16xf32>,
        %mul3A_131 = arith.mulf %gather3A_130, %exp3A_127 : vector<16xf32>
        %gather3A_132 = tpu.vector_load_idx %arg15[%scan3A_61#14] : memref<10000xf32, #tpu.memory_space<vmem>>[vector<16xi32>], vector<16xf32>,
        %mul3A_133 = arith.mulf %gather3A_132, %exp3A_127 : vector<16xf32>
        %add3A_134 = arith.addf %add3A_118, %mul3A_129 : vector<16xf32>
        %add3A_135 = arith.addf %add3A_119, %mul3A_131 : vector<16xf32>
        %add3A_136 = arith.addf %add3A_120, %mul3A_133 : vector<16xf32>
        %max3A_137 = arith.maximumf %max3A_121, %mul3A_129 : vector<16xf32>
        %max3A_138 = arith.maximumf %max3A_122, %mul3A_131 : vector<16xf32>
        %max3A_139 = arith.maximumf %max3A_123, %mul3A_133 : vector<16xf32>
        %mul3A_140 = arith.constant -1.000000e+01 : f32
        %mul3A_141 = vector.broadcast %mul3A_140 : f32 to vector<16xf32>
        %mul3A_142 = arith.mulf %mul3A_141, %scan3A_61#5 : vector<16xf32>
        %exp3A_143 = math.exp %mul3A_142 : vector<16xf32>
        %gather3A_144 = tpu.vector_load_idx %arg13[%scan3A_61#15] : memref<10000xf32, #tpu.memory_space<vmem>>[vector<16xi32>], vector<16xf32>,
        %mul3A_145 = arith.mulf %gather3A_144, %exp3A_143 : vector<16xf32>
        %gather3A_146 = tpu.vector_load_idx %arg14[%scan3A_61#15] : memref<10000xf32, #tpu.memory_space<vmem>>[vector<16xi32>], vector<16xf32>,
        %mul3A_147 = arith.mulf %gather3A_146, %exp3A_143 : vector<16xf32>
        %gather3A_148 = tpu.vector_load_idx %arg15[%scan3A_61#15] : memref<10000xf32, #tpu.memory_space<vmem>>[vector<16xi32>], vector<16xf32>,
        %mul3A_149 = arith.mulf %gather3A_148, %exp3A_143 : vector<16xf32>
        %add3A_150 = arith.addf %add3A_134, %mul3A_145 : vector<16xf32>
        %add3A_151 = arith.addf %add3A_135, %mul3A_147 : vector<16xf32>
        %add3A_152 = arith.addf %add3A_136, %mul3A_149 : vector<16xf32>
        %max3A_153 = arith.maximumf %max3A_137, %mul3A_145 : vector<16xf32>
        %max3A_154 = arith.maximumf %max3A_138, %mul3A_147 : vector<16xf32>
        %max3A_155 = arith.maximumf %max3A_139, %mul3A_149 : vector<16xf32>
        %mul3A_156 = arith.constant -1.000000e+01 : f32
        %mul3A_157 = vector.broadcast %mul3A_156 : f32 to vector<16xf32>
        %mul3A_158 = arith.mulf %mul3A_157, %scan3A_61#6 : vector<16xf32>
        %exp3A_159 = math.exp %mul3A_158 : vector<16xf32>
        %gather3A_160 = tpu.vector_load_idx %arg13[%scan3A_61#16] : memref<10000xf32, #tpu.memory_space<vmem>>[vector<16xi32>], vector<16xf32>,
        %mul3A_161 = arith.mulf %gather3A_160, %exp3A_159 : vector<16xf32>
        %gather3A_162 = tpu.vector_load_idx %arg14[%scan3A_61#16] : memref<10000xf32, #tpu.memory_space<vmem>>[vector<16xi32>], vector<16xf32>,
        %mul3A_163 = arith.mulf %gather3A_162, %exp3A_159 : vector<16xf32>
        %gather3A_164 = tpu.vector_load_idx %arg15[%scan3A_61#16] : memref<10000xf32, #tpu.memory_space<vmem>>[vector<16xi32>], vector<16xf32>,
        %mul3A_165 = arith.mulf %gather3A_164, %exp3A_159 : vector<16xf32>
        %add3A_166 = arith.addf %add3A_150, %mul3A_161 : vector<16xf32>
        %add3A_167 = arith.addf %add3A_151, %mul3A_163 : vector<16xf32>
        %add3A_168 = arith.addf %add3A_152, %mul3A_165 : vector<16xf32>
        %max3A_169 = arith.maximumf %max3A_153, %mul3A_161 : vector<16xf32>
        %max3A_170 = arith.maximumf %max3A_154, %mul3A_163 : vector<16xf32>
        %max3A_171 = arith.maximumf %max3A_155, %mul3A_165 : vector<16xf32>
        %mul3A_172 = arith.constant -1.000000e+01 : f32
        %mul3A_173 = vector.broadcast %mul3A_172 : f32 to vector<16xf32>
        %mul3A_174 = arith.mulf %mul3A_173, %scan3A_61#7 : vector<16xf32>
        %exp3A_175 = math.exp %mul3A_174 : vector<16xf32>
        %gather3A_176 = tpu.vector_load_idx %arg13[%scan3A_61#17] : memref<10000xf32, #tpu.memory_space<vmem>>[vector<16xi32>], vector<16xf32>,
        %mul3A_177 = arith.mulf %gather3A_176, %exp3A_175 : vector<16xf32>
        %gather3A_178 = tpu.vector_load_idx %arg14[%scan3A_61#17] : memref<10000xf32, #tpu.memory_space<vmem>>[vector<16xi32>], vector<16xf32>,
        %mul3A_179 = arith.mulf %gather3A_178, %exp3A_175 : vector<16xf32>
        %gather3A_180 = tpu.vector_load_idx %arg15[%scan3A_61#17] : memref<10000xf32, #tpu.memory_space<vmem>>[vector<16xi32>], vector<16xf32>,
        %mul3A_181 = arith.mulf %gather3A_180, %exp3A_175 : vector<16xf32>
        %add3A_182 = arith.addf %add3A_166, %mul3A_177 : vector<16xf32>
        %add3A_183 = arith.addf %add3A_167, %mul3A_179 : vector<16xf32>
        %add3A_184 = arith.addf %add3A_168, %mul3A_181 : vector<16xf32>
        %max3A_185 = arith.maximumf %max3A_169, %mul3A_177 : vector<16xf32>
        %max3A_186 = arith.maximumf %max3A_170, %mul3A_179 : vector<16xf32>
        %max3A_187 = arith.maximumf %max3A_171, %mul3A_181 : vector<16xf32>
        %mul3A_188 = arith.constant -1.000000e+01 : f32
        %mul3A_189 = vector.broadcast %mul3A_188 : f32 to vector<16xf32>
        %mul3A_190 = arith.mulf %mul3A_189, %scan3A_61#8 : vector<16xf32>
        %exp3A_191 = math.exp %mul3A_190 : vector<16xf32>
        %gather3A_192 = tpu.vector_load_idx %arg13[%scan3A_61#18] : memref<10000xf32, #tpu.memory_space<vmem>>[vector<16xi32>], vector<16xf32>,
        %mul3A_193 = arith.mulf %gather3A_192, %exp3A_191 : vector<16xf32>
        %gather3A_194 = tpu.vector_load_idx %arg14[%scan3A_61#18] : memref<10000xf32, #tpu.memory_space<vmem>>[vector<16xi32>], vector<16xf32>,
        %mul3A_195 = arith.mulf %gather3A_194, %exp3A_191 : vector<16xf32>
        %gather3A_196 = tpu.vector_load_idx %arg15[%scan3A_61#18] : memref<10000xf32, #tpu.memory_space<vmem>>[vector<16xi32>], vector<16xf32>,
        %mul3A_197 = arith.mulf %gather3A_196, %exp3A_191 : vector<16xf32>
        %add3A_198 = arith.addf %add3A_182, %mul3A_193 : vector<16xf32>
        %add3A_199 = arith.addf %add3A_183, %mul3A_195 : vector<16xf32>
        %add3A_200 = arith.addf %add3A_184, %mul3A_197 : vector<16xf32>
        %max3A_201 = arith.maximumf %max3A_185, %mul3A_193 : vector<16xf32>
        %max3A_202 = arith.maximumf %max3A_186, %mul3A_195 : vector<16xf32>
        %max3A_203 = arith.maximumf %max3A_187, %mul3A_197 : vector<16xf32>
        %mul3A_204 = arith.constant -1.000000e+01 : f32
        %mul3A_205 = vector.broadcast %mul3A_204 : f32 to vector<16xf32>
        %mul3A_206 = arith.mulf %mul3A_205, %scan3A_61#9 : vector<16xf32>
        %exp3A_207 = math.exp %mul3A_206 : vector<16xf32>
        %gather3A_208 = tpu.vector_load_idx %arg13[%scan3A_61#19] : memref<10000xf32, #tpu.memory_space<vmem>>[vector<16xi32>], vector<16xf32>,
        %mul3A_209 = arith.mulf %gather3A_208, %exp3A_207 : vector<16xf32>
        %gather3A_210 = tpu.vector_load_idx %arg14[%scan3A_61#19] : memref<10000xf32, #tpu.memory_space<vmem>>[vector<16xi32>], vector<16xf32>,
        %mul3A_211 = arith.mulf %gather3A_210, %exp3A_207 : vector<16xf32>
        %gather3A_212 = tpu.vector_load_idx %arg15[%scan3A_61#19] : memref<10000xf32, #tpu.memory_space<vmem>>[vector<16xi32>], vector<16xf32>,
        %mul3A_213 = arith.mulf %gather3A_212, %exp3A_207 : vector<16xf32>
        %add3A_214 = arith.addf %add3A_198, %mul3A_209 : vector<16xf32>
        %add3A_215 = arith.addf %add3A_199, %mul3A_211 : vector<16xf32>
        %add3A_216 = arith.addf %add3A_200, %mul3A_213 : vector<16xf32>
        %max3A_217 = arith.maximumf %max3A_201, %mul3A_209 : vector<16xf32>
        %max3A_218 = arith.maximumf %max3A_202, %mul3A_211 : vector<16xf32>
        %max3A_219 = arith.maximumf %max3A_203, %mul3A_213 : vector<16xf32>
        %get3A_220 = arith.index_cast %mul3A_35 : i32 to index
        %get3A_221 = tpu.vector_load %arg16[%get3A_220] {strides = array<i32>} : memref<10000xf32, #tpu.memory_space<vmem>>, vector<16xf32>,
        %mul3A_222 = arith.mulf %get3A_221, %get3A_1 : vector<16xf32>
        %get3A_223 = arith.index_cast %mul3A_35 : i32 to index
        %get3A_224 = tpu.vector_load %arg17[%get3A_223] {strides = array<i32>} : memref<10000xf32, #tpu.memory_space<vmem>>, vector<16xf32>,
        %mul3A_225 = arith.mulf %get3A_224, %get3A_3 : vector<16xf32>
        %add3A_226 = arith.addf %mul3A_222, %mul3A_225 : vector<16xf32>
        %get3A_227 = arith.index_cast %mul3A_35 : i32 to index
        %get3A_228 = tpu.vector_load %arg18[%get3A_227] {strides = array<i32>} : memref<10000xf32, #tpu.memory_space<vmem>>, vector<16xf32>,
        %mul3A_229 = arith.mulf %get3A_228, %get3A_5 : vector<16xf32>
        %add3A_230 = arith.addf %add3A_226, %mul3A_229 : vector<16xf32>
        %mul3A_231 = arith.constant 1.000000e-01 : f32
        %mul3A_232 = vector.broadcast %mul3A_231 : f32 to vector<16xf32>
        %mul3A_233 = arith.mulf %add3A_214, %mul3A_232 : vector<16xf32>
        %mul3A_234 = arith.mulf %mul3A_233, %get3A_7 : vector<16xf32>
        %add3A_235 = arith.addf %add3A_230, %mul3A_234 : vector<16xf32>
        %mul3A_236 = arith.constant 1.000000e-01 : f32
        %mul3A_237 = vector.broadcast %mul3A_236 : f32 to vector<16xf32>
        %mul3A_238 = arith.mulf %add3A_215, %mul3A_237 : vector<16xf32>
        %mul3A_239 = arith.mulf %mul3A_238, %get3A_9 : vector<16xf32>
        %add3A_240 = arith.addf %add3A_235, %mul3A_239 : vector<16xf32>
        %mul3A_241 = arith.constant 1.000000e-01 : f32
        %mul3A_242 = vector.broadcast %mul3A_241 : f32 to vector<16xf32>
        %mul3A_243 = arith.mulf %add3A_216, %mul3A_242 : vector<16xf32>
        %mul3A_244 = arith.mulf %mul3A_243, %get3A_11 : vector<16xf32>
        %add3A_245 = arith.addf %add3A_240, %mul3A_244 : vector<16xf32>
        %mul3A_246 = arith.mulf %max3A_217, %get3A_13 : vector<16xf32>
        %add3A_247 = arith.addf %add3A_245, %mul3A_246 : vector<16xf32>
        %mul3A_248 = arith.mulf %max3A_218, %get3A_15 : vector<16xf32>
        %add3A_249 = arith.addf %add3A_247, %mul3A_248 : vector<16xf32>
        %mul3A_250 = arith.mulf %max3A_219, %get3A_17 : vector<16xf32>
        %add3A_251 = arith.addf %add3A_249, %mul3A_250 : vector<16xf32>
        %add3A_252 = arith.addf %add3A_251, %get3A_19 : vector<16xf32>
        %swap3A = arith.constant 0 : index
        %swap3A_253 = tpu.vector_load %arg23[%swap3A] {strides = array<i32>} : memref<16xf32, #tpu.memory_space<vmem>>, vector<16xf32>,
        tpu.vector_store %arg23[%swap3A], %add3A_252 {strides = array<i32>} : memref<16xf32, #tpu.memory_space<vmem>>, vector<16xf32>,
        "tpu.region"() ({
          %run_scoped3A = tpu.sem_alloc : memref<!tpu.dma_semaphore, #tpu.memory_space<semaphore_mem>>
          %dma_start3A = tpu.memref_slice %arg12[%mul3A_35] : memref<10000xf32, #tpu.memory_space<hbm>> -> memref<16xf32, #tpu.memory_space<hbm>>
          %dma_start3A_254 = tpu.memref_slice %arg12[%mul3A_35] : memref<10000xf32, #tpu.memory_space<hbm>> -> memref<16xf32, #tpu.memory_space<hbm>>
          tpu.enqueue_dma source(%arg23 : memref<16xf32, #tpu.memory_space<vmem>>) target(%dma_start3A_254 : memref<16xf32, #tpu.memory_space<hbm>>) target_semaphore(%run_scoped3A : memref<!tpu.dma_semaphore, #tpu.memory_space<semaphore_mem>>)
          %dma_wait3A = tpu.memref_slice %arg12[%mul3A_35] : memref<10000xf32, #tpu.memory_space<hbm>> -> memref<16xf32, #tpu.memory_space<hbm>>
          %dma_wait3A_255 = tpu.memref_slice %arg12[%mul3A_35] : memref<10000xf32, #tpu.memory_space<hbm>> -> memref<16xf32, #tpu.memory_space<hbm>>
          tpu.wait_dma2 semaphore(%run_scoped3A : memref<!tpu.dma_semaphore, #tpu.memory_space<semaphore_mem>>) src(%arg23 : memref<16xf32, #tpu.memory_space<vmem>>) dst(%dma_wait3A_255 : memref<16xf32, #tpu.memory_space<hbm>>)
          tpu.yield
        }) : () -> ()
      } else {
      }
      %scan3A_33 = arith.constant 0 : i32
      scf.yield %scan3A_33 : i32
    }
    %scan3A_25 = arith.constant 20 : i32
    return
  }
}

module attributes {stable_mosaic.version = 14 : i64} {
  func.func @_d_body(%arg0: i32, %arg1: i32, %arg2: memref<40xi32, #tpu.memory_space<smem>>, %arg3: memref<40xi32, #tpu.memory_space<smem>>, %arg4: memref<20xi32, #tpu.memory_space<smem>>, %arg5: memref<20xi32, #tpu.memory_space<smem>>, %arg6: memref<256x2xf32, #tpu.memory_space<vmem>>, %arg7: memref<512x2xf32, #tpu.memory_space<vmem>>, %arg8: memref<256x1xf32, #tpu.memory_space<vmem>>, %arg9: memref<1x512xf32, #tpu.memory_space<vmem>>, %arg10: memref<256x1xi32, #tpu.memory_space<vmem>>, %arg11: memref<1x512xi32, #tpu.memory_space<vmem>>, %arg12: memref<256x512xf32, #tpu.memory_space<vmem>>) attributes {dimension_semantics = [#tpu.dimension_semantics<arbitrary>, #tpu.dimension_semantics<arbitrary>], iteration_bounds = array<i64: 40, 20>, scalar_prefetch = 0 : i64, scratch_operands = 0 : i64, tpu.core_type = #tpu.core_type<tc>, window_params = [{transform_indices = @transform_0, window_bounds = array<i64: 40>}, {transform_indices = @transform_1, window_bounds = array<i64: 40>}, {transform_indices = @transform_2, window_bounds = array<i64: 20>}, {transform_indices = @transform_3, window_bounds = array<i64: 20>}, {transform_indices = @transform_4, window_bounds = array<i64: 256, 2>}, {transform_indices = @transform_5, window_bounds = array<i64: 512, 2>}, {transform_indices = @transform_6, window_bounds = array<i64: 256, 1>}, {transform_indices = @transform_7, window_bounds = array<i64: 1, 512>}, {transform_indices = @transform_8, window_bounds = array<i64: 256, 1>}, {transform_indices = @transform_9, window_bounds = array<i64: 1, 512>}, {transform_indices = @transform_10, window_bounds = array<i64: 256, 512>}]} {
    %get3A = arith.index_cast %arg0 : i32 to index
    %get3A_0 = memref.load %arg3[%get3A] : memref<40xi32, #tpu.memory_space<smem>>
    %get3A_1 = arith.index_cast %arg1 : i32 to index
    %get3A_2 = memref.load %arg4[%get3A_1] : memref<20xi32, #tpu.memory_space<smem>>
    %ge3A = arith.cmpi sge, %get3A_0, %get3A_2 : i32
    %get3A_3 = arith.index_cast %arg0 : i32 to index
    %get3A_4 = memref.load %arg2[%get3A_3] : memref<40xi32, #tpu.memory_space<smem>>
    %get3A_5 = arith.index_cast %arg1 : i32 to index
    %get3A_6 = memref.load %arg5[%get3A_5] : memref<20xi32, #tpu.memory_space<smem>>
    %le3A = arith.cmpi sle, %get3A_4, %get3A_6 : i32
    %and3A = arith.andi %ge3A, %le3A : i1
    %convert_element_type3A = arith.extui %and3A : i1 to i32
    %cond3A = arith.constant 0 : i32
    %cond3A_7 = arith.cmpi ne, %convert_element_type3A, %cond3A : i32
    scf.if %cond3A_7 {
      %get3A_8 = arith.constant 0 : index
      %get3A_9 = arith.constant 0 : index
      %get3A_10 = vector.load %arg6[%get3A_8, %get3A_9] : memref<256x2xf32, #tpu.memory_space<vmem>>, vector<256x2xf32>
      %get3A_11 = arith.constant 0 : index
      %get3A_12 = arith.constant 0 : index
      %get3A_13 = vector.load %arg7[%get3A_11, %get3A_12] : memref<512x2xf32, #tpu.memory_space<vmem>>, vector<512x2xf32>
      %dot_general3A = arith.constant dense<0.000000e+00> : vector<256x512xf32>
      %dot_general3A_14 = tpu.matmul %get3A_10, %get3A_13, %dot_general3A {dimension_numbers = #tpu.dot_dimension_numbers<[1], [1], [0], [0], [0, 0, 1, 0], [], []>, transpose_lhs_hint = false} : vector<256x2xf32>, vector<512x2xf32>, vector<256x512xf32> -> vector<256x512xf32>
      %get3A_15 = arith.constant 0 : index
      %get3A_16 = arith.constant 0 : index
      %get3A_17 = vector.load %arg8[%get3A_15, %get3A_16] : memref<256x1xf32, #tpu.memory_space<vmem>>, vector<256x1xf32>
      %get3A_18 = arith.constant 0 : index
      %get3A_19 = arith.constant 0 : index
      %get3A_20 = vector.load %arg9[%get3A_18, %get3A_19] : memref<1x512xf32, #tpu.memory_space<vmem>>, vector<1x512xf32>
      %add3A = vector.broadcast %get3A_17 : vector<256x1xf32> to vector<256x512xf32>
      %add3A_21 = vector.broadcast %get3A_20 : vector<1x512xf32> to vector<256x512xf32>
      %add3A_22 = arith.addf %add3A, %add3A_21 : vector<256x512xf32>
      %mul3A = arith.constant 2.000000e+00 : f32
      %mul3A_23 = vector.broadcast %mul3A : f32 to vector<256x512xf32>
      %mul3A_24 = arith.mulf %mul3A_23, %dot_general3A_14 : vector<256x512xf32>
      %sub3A = arith.subf %add3A_22, %mul3A_24 : vector<256x512xf32>
      %max3A = arith.constant 0.000000e+00 : f32
      %max3A_25 = vector.broadcast %max3A : f32 to vector<256x512xf32>
      %max3A_26 = arith.maximumf %sub3A, %max3A_25 : vector<256x512xf32>
      %get3A_27 = arith.constant 0 : index
      %get3A_28 = arith.constant 0 : index
      %get3A_29 = vector.load %arg10[%get3A_27, %get3A_28] : memref<256x1xi32, #tpu.memory_space<vmem>>, vector<256x1xi32>
      %get3A_30 = arith.constant 0 : index
      %get3A_31 = arith.constant 0 : index
      %get3A_32 = vector.load %arg11[%get3A_30, %get3A_31] : memref<1x512xi32, #tpu.memory_space<vmem>>, vector<1x512xi32>
      %ne3A = vector.broadcast %get3A_29 : vector<256x1xi32> to vector<256x512xi32>
      %ne3A_33 = vector.broadcast %get3A_32 : vector<1x512xi32> to vector<256x512xi32>
      %ne3A_34 = arith.cmpi ne, %ne3A, %ne3A_33 : vector<256x512xi32>
      %jit3A = arith.constant 1.000000e+10 : f32
      %broadcast_in_dim3A = vector.broadcast %jit3A : f32 to vector<256x512xf32>
      %select_n3A = arith.select %ne3A_34, %broadcast_in_dim3A, %max3A_26 : vector<256x512xi1>, vector<256x512xf32>
      %swap3A = arith.constant 0 : index
      %swap3A_35 = arith.constant 0 : index
      %swap3A_36 = vector.load %arg12[%swap3A, %swap3A_35] : memref<256x512xf32, #tpu.memory_space<vmem>>, vector<256x512xf32>
      tpu.vector_store %arg12[%swap3A, %swap3A_35], %select_n3A {strides = array<i32>} : memref<256x512xf32, #tpu.memory_space<vmem>>, vector<256x512xf32>,
    } else {
    }
    return
  }
  func.func @transform_0(%arg0: i32, %arg1: i32) -> i32 {
    %c0_i32 = arith.constant 0 : i32
    %c0_i32_0 = arith.constant 0 : i32
    return %c0_i32 : i32
  }
  func.func @transform_1(%arg0: i32, %arg1: i32) -> i32 {
    %c0_i32 = arith.constant 0 : i32
    %c0_i32_0 = arith.constant 0 : i32
    return %c0_i32 : i32
  }
  func.func @transform_2(%arg0: i32, %arg1: i32) -> i32 {
    %c0_i32 = arith.constant 0 : i32
    %c0_i32_0 = arith.constant 0 : i32
    return %c0_i32 : i32
  }
  func.func @transform_3(%arg0: i32, %arg1: i32) -> i32 {
    %c0_i32 = arith.constant 0 : i32
    %c0_i32_0 = arith.constant 0 : i32
    return %c0_i32 : i32
  }
  func.func @transform_4(%arg0: i32, %arg1: i32) -> (i32, i32) {
    %c0_i32 = arith.constant 0 : i32
    %c0_i32_0 = arith.constant 0 : i32
    return %arg0, %c0_i32 : i32, i32
  }
  func.func @transform_5(%arg0: i32, %arg1: i32) -> (i32, i32) {
    %c0_i32 = arith.constant 0 : i32
    %c0_i32_0 = arith.constant 0 : i32
    return %arg1, %c0_i32 : i32, i32
  }
  func.func @transform_6(%arg0: i32, %arg1: i32) -> (i32, i32) {
    %c0_i32 = arith.constant 0 : i32
    %c0_i32_0 = arith.constant 0 : i32
    return %arg0, %c0_i32 : i32, i32
  }
  func.func @transform_7(%arg0: i32, %arg1: i32) -> (i32, i32) {
    %c0_i32 = arith.constant 0 : i32
    %c0_i32_0 = arith.constant 0 : i32
    return %c0_i32, %arg1 : i32, i32
  }
  func.func @transform_8(%arg0: i32, %arg1: i32) -> (i32, i32) {
    %c0_i32 = arith.constant 0 : i32
    %c0_i32_0 = arith.constant 0 : i32
    return %arg0, %c0_i32 : i32, i32
  }
  func.func @transform_9(%arg0: i32, %arg1: i32) -> (i32, i32) {
    %c0_i32 = arith.constant 0 : i32
    %c0_i32_0 = arith.constant 0 : i32
    return %c0_i32, %arg1 : i32, i32
  }
  func.func @transform_10(%arg0: i32, %arg1: i32) -> (i32, i32) {
    %c0_i32 = arith.constant 0 : i32
    return %arg0, %arg1 : i32, i32
  }
}

</mosaic_0001>

<sc_bundles>
// kernel: kernel.4.cloned.1.call-start
scs
__scs_entry_jumppad:
0x0: {  	(pc) =	sbr.rel $0x88, $3  }
0x1: {  	(tag) =	ssettag $0x0;
	lr =	simm.s32 $0x1  }
0x2: {  	[smem:$0x3F98] =	sst lr;
	_ =	strace $0xD0000000  }
0x3: {  	_ = 	snop  }
0x4: {  	_ = 	snop  }
0x5: {  	_ = 	snop  }
0x6: {  	_ = 	snop  }
0x7: {  	_ = 	snop  }
__scs_overlays_trampoline_lowered:
0x8: {  	[smem:$0x3FA7] =	sst s0  }
0x9: {  	[smem:$0x3FA8] =	sst s1  }
0xa: {  	[smem:$0x3FA9] =	sst s2  }
0xb: {  	[smem:$0x3FAA] =	sst s3  }
0xc: {  	[smem:$0x3FAB] =	sst s4  }
0xd: {  	[smem:$0x3FAC] =	sst s5  }
0xe: {  	[smem:$0x3FAD] =	sst s6  }
0xf: {  	[smem:$0x3FAE] =	sst s7  }
0x10: {  	[smem:$0x3FAF] =	sst s8  }
0x11: {  	[smem:$0x3FB0] =	sst s9;
	s0 =	simm.s32 @!p0 $0x0  }
0x12: {  	s1 =	sld [smem:$0x3F96];
	s0 =	simm.s32 @p0 $0x1  }
0x13: {  	[smem:$0x3FB1] =	sst s0;
	s0 =	simm.s32 @!p1 $0x0  }
0x14: {  	s2 =	sld [smem:$0x3F95];
	s0 =	simm.s32 @p1 $0x1  }
0x15: {  	[smem:$0x3FB2] =	sst s0;
	s0 =	simm.s32 @!p2 $0x0  }
0x16: {  	s3 =	sld [smem:$0x3FDB];
	s0 =	simm.s32 @p2 $0x1  }
0x17: {  	s4 =	simm.s32 $0x1BF5;
	[smem:$0x3FB4] =	sst s0  }
0x18: {  	s0 =	sld [smem:$0x3F97];
	_ =	swait.ge [sflag:s4], $0x0  }
0x19: {  	s7 =	sld [smem:$0x3F98]  }
0x1a: {  	s8 =	sadd.s32 $0xFFFFE003, lr  }
0x1b: {  	s9 =	sadd.s32 $0xFFFFFEF7, lr;
	s5 =	simm.s32 $0xFFFFFFFF;
	p2 =	slt.u32 s8, $0xFFFFF086  }
0x1c: {  	p1 =	slt.u32 s9, $0xF7A;
	s5 =	simm.s32 @!p2 $0x0  }
0x1d: {  	s5 =	simm.s32 @p1 $0x1;
	p0 =	seq.s32 s7, s2  }
0x1e: {  	s7 =	smul.u32 @!p0 $0xF7A, s2;
	p2 =	seq.s32 @!p0 s5, $0x0  }
0x1f: {  	s9 =	smul.u32 $0xF7A, s1;
	s8 =	simm.s32 @!p0 $0x1BF5;
	p2 =	por !p2, p0  }
0x20: {  	[sflag:s8] =	ssyncset.s32 @!p0 $0xFFFFF086;
	s6 =	sadd.s32 @!p0 s3, s7;
	s7 =	simm.s32 @!p0 $0x108  }
0x21: {  	s3 =	sadd.s32 s3, s9;
	s6 =	sadd.s32 @!p0 $0x88, s6;
	s7 =	simm.s32 @p2 $0x1082  }
0x22: {  	[simem:s7], [sflag:s8] =	dma.local @!p0 [hbm:s6], $0xF7A  }
0x23: {  	s9 =	sor.u32 $0xD0000000, s2;
	s6 =	simm.s32 $0x108;
	_ =	swait.ge @!p0 [sflag:s8], $0x0  }
0x24: {  	s3 =	sadd.s32 $0x88, s3;
	s6 =	simm.s32 @!p1 $0x1082;
	[sflag:s4] =	ssyncset.s32 $0xFFFFF086  }
0x25: {  	[simem:s6], [sflag:s4] =	dma.local [hbm:s3], $0xF7A  }
0x26: {  	[smem:$0x3F98] =	sst s1;
	(tag) =	ssettag s2;
	_ =	strace s9  }
0x27: {  	s1 =	sld [smem:$0x3FA8]  }
0x28: {  	s2 =	sld [smem:$0x3FA9]  }
0x29: {  	s4 =	sld [smem:$0x3FAB]  }
0x2a: {  	p0 =	seq.s32 s5, $0x0;
	s5 =	sld [smem:$0x3FAC]  }
0x2b: {  	s6 =	sld [smem:$0x3FAD]  }
0x2c: {  	s7 =	sld [smem:$0x3FAE]  }
0x2d: {  	s3 =	simm.s32 $0x108;
	s8 =	sld [smem:$0x3FAF]  }
0x2e: {  	s3 =	simm.s32 @!p0 $0x1082;
	s9 =	sld [smem:$0x3FB0]  }
0x2f: {  	lr =	sadd.s32 s0, s3;
	s0 =	sld [smem:$0x3FA7]  }
0x30: {  	s3 =	sld [smem:$0x3FAA]  }
0x31: {  	[smem:$0x3FB3] =	sst s10  }
0x32: {  	s10 =	sld [smem:$0x3FB1];
	_ =	sdelay $0x3  }
0x33: {  	p0 =	seq.s32 s10, $0x1;
	s10 =	sld [smem:$0x3FB3];
	_ =	sdelay $0x3  }
0x34: {  	[smem:$0x3FB3] =	sst s10  }
0x35: {  	s10 =	sld [smem:$0x3FB2];
	_ =	sdelay $0x3  }
0x36: {  	p1 =	seq.s32 s10, $0x1;
	s10 =	sld [smem:$0x3FB3];
	_ =	sdelay $0x3  }
0x37: {  	[smem:$0x3FB3] =	sst s10  }
0x38: {  	s10 =	sld [smem:$0x3FB4]  }
0x39: {  	_ = 	snop;
	(pc) =	sbr.ind lr, $3  }
0x3a: {  	_ = 	snop  }
0x3b: {  	_ = 	snop  }
0x3c: {  	p2 =	seq.s32 s10, $0x1;
	s10 =	sld [smem:$0x3FB3]  }
0x3d: {  	_ =	shalt  }
0x3e: {  	_ =	shalt  }
0x3f: {  	_ =	shalt  }
0x40: {  	_ =	shalt  }
0x41: {  	_ =	shalt  }
0x42: {  	_ =	shalt  }
0x43: {  	_ =	shalt  }
0x44: {  	_ =	shalt  }
0x45: {  	_ =	shalt  }
0x46: {  	_ =	shalt  }
0x47: {  	_ =	shalt  }
0x48: {  	_ =	shalt  }
0x49: {  	_ =	shalt  }
0x4a: {  	_ =	shalt  }
0x4b: {  	_ =	shalt  }
0x4c: {  	_ =	shalt  }
0x4d: {  	_ =	shalt  }
0x4e: {  	_ =	shalt  }
0x4f: {  	_ =	shalt  }
0x50: {  	_ =	shalt  }
0x51: {  	_ =	shalt  }
0x52: {  	_ =	shalt  }
0x53: {  	_ =	shalt  }
0x54: {  	_ =	shalt  }
0x55: {  	_ =	shalt  }
0x56: {  	_ =	shalt  }
0x57: {  	_ =	shalt  }
0x58: {  	_ =	shalt  }
0x59: {  	_ =	shalt  }
0x5a: {  	_ =	shalt  }
0x5b: {  	_ =	shalt  }
0x5c: {  	_ =	shalt  }
0x5d: {  	_ =	shalt  }
0x5e: {  	_ =	shalt  }
0x5f: {  	_ =	shalt  }
0x60: {  	_ =	shalt  }
0x61: {  	_ =	shalt  }
0x62: {  	_ =	shalt  }
0x63: {  	_ =	shalt  }
0x64: {  	_ =	shalt  }
0x65: {  	_ =	shalt  }
0x66: {  	_ =	shalt  }
0x67: {  	_ =	shalt  }
0x68: {  	_ =	shalt  }
0x69: {  	_ =	shalt  }
0x6a: {  	_ =	shalt  }
0x6b: {  	_ =	shalt  }
0x6c: {  	_ =	shalt  }
0x6d: {  	_ =	shalt  }
0x6e: {  	_ =	shalt  }
0x6f: {  	_ =	shalt  }
0x70: {  	_ =	shalt  }
0x71: {  	_ =	shalt  }
0x72: {  	_ =	shalt  }
0x73: {  	_ =	shalt  }
0x74: {  	_ =	shalt  }
0x75: {  	_ =	shalt  }
0x76: {  	_ =	shalt  }
0x77: {  	_ =	shalt  }
0x78: {  	_ =	shalt  }
0x79: {  	_ =	shalt  }
0x7a: {  	_ =	shalt  }
0x7b: {  	_ =	shalt  }
0x7c: {  	_ =	shalt  }
0x7d: {  	_ =	shalt  }
0x7e: {  	_ =	shalt  }
0x7f: {  	_ =	shalt  }
0x80: {  	_ =	shalt  }
0x81: {  	_ =	shalt  }
0x82: {  	_ =	shalt  }
0x83: {  	_ =	shalt  }
0x84: {  	_ =	shalt  }
0x85: {  	_ =	shalt  }
0x86: {  	_ =	shalt  }
0x87: {  	_ =	shalt  }
.Lfunc_end0:
.L_simem_size_0:
called_computation_lowered:
.L_overlay_start_0:
0x88: {  	s2 =	sld [smem:$0x3FD9]  }
0x89: {  	s3 =	sld [smem:$0x3FFE];
	_ =	sdelay $0x1  }
0x8a: {  	s1 =	srdreg.scid  }
0x8b: {  	s0 =	sand.u32 $0x1, s1  }
0x8c: {  	s17 =	sshll.u32 s0, $0xA;
	s2 =	sadd.s32 s3, s2  }
0x8d: {  	s2 =	sadd.s32 s2, s17  }
0x8e: {  	[smem:$0x3FBF] =	sst s2  }
0x8f: {  	_ = 	snop  }
0x90: {  	s2 =	sld [smem:$0x3FD0];
	(tm) =	ssettm $0x1  }
0x91: {  	s18 =	sld [smem:$0x3FFB];
	_ =	sdelay $0x3  }
0x92: {  	_ =	strace s18  }
0x93: {  	s3 =	sld [smem:$0x3FFC];
	_ =	sdelay $0x3  }
0x94: {  	_ =	strace s3  }
0x95: {  	s3 =	sld [smem:$0x3FFD];
	_ =	sdelay $0x3  }
0x96: {  	_ =	strace s3  }
0x97: {  	_ =	strace $0x8FFFFFFF  }
0x98: {  	s19 =	sld [smem:$0x3FDB];
	_ =	sdelay $0x1  }
0x99: {  	s4 =	simm.s32 $_scs_section_size  }
0x9a: {  	s5 =	simm.s32 $_size__tile_overlayer_lowered;
	s6 =	simm.s32 $_tile_overlayer_lowered  }
0x9b: {  	s22 =	simm.s32 $0x1BFF;
	s21 =	sshll.u32 s6, $0x1;
	s3 =	sadd.s32 s4, s19  }
0x9c: {  	s7 =	simm.s32 $0x0;
	s20 =	sshll.u32 s5, $0x1;
	s5 =	sadd.s32 s21, s3  }
0x9d: {  	[timem:s7], [sflag:s22] =	dma.local [hbm:s5], s20  }
0x9e: {  	_ =	swait.ge [sflag:s22], s20  }
0x9f: {  	s4 =	ssub.s32 $0x0, s20;
	[sflag:s22] =	ssyncset.done $0x0  }
0xa0: {  	[sflag:s22] =	ssyncadd.s32 s4;
	_ =	sdelay $0x1  }
0xa1: {  	s23 =	simm.s32 $0x1B8B  }
0xa2: {  	_ =	swait.ge [sflag:s23], $0x1  }
0xa3: {  	[sflag:s23] =	ssyncset.done $0x0  }
0xa4: {  	s25 =	simm.s32 $0x1B8E;
	s24 =	sld [smem:$0x3FFE];
	[sflag:s23] =	ssyncadd.s32 $0xFFFFFFFF  }
0xa5: {  	s26 =	simm.s32 $execute0_lowered;
	[smem:$0x3FD2] =	sst s25  }
0xa6: {  	s5 =	sshll.u32 s26, $0x1;
	_ =	strace $0x80000046;
	[dreg:$0x1] =	wrdreg $0xFFFFFFFF  }
0xa7: {  	s28 =	simm.s32 $_size_execute0_lowered;
	s3 =	sadd.s32 s3, s5;
	[dreg:$0x0] =	wrdreg $0x0  }
0xa8: {  	s5 =	sshll.u32 s28, $0x1;
	[dreg:$0x2] =	wrdreg s3  }
0xa9: {  	[dreg:$0x3] =	wrdreg s5  }
0xaa: {  	[dreg:$0x4] =	wrdreg $0xC0  }
0xab: {  	_ =	task [dreg:s7], $0x5FFFF  }
0xac: {  	[dreg:$0x1] =	wrdreg $0xFFFFFFFF  }
0xad: {  	[dreg:$0x0] =	wrdreg $0x60  }
0xae: {  	[dreg:$0x2] =	wrdreg s24  }
0xaf: {  	[dreg:$0x3] =	wrdreg s2  }
0xb0: {  	[dreg:$0x4] =	wrdreg $0x9  }
0xb1: {  	_ =	task.clear_ibuf [dreg:s7], $0x5FFFF;
	_ =	strace $0x90000046  }
0xb2: {  	s29 =	simm.s32 $0x9;
	_ =	strace $0x80000048  }
0xb3: {  	_ =	swait.ge [sflag:s29], $0x1  }
0xb4: {  	[sflag:s29] =	ssyncadd.s32 $0xFFFFFFFF  }
0xb5: {  	_ =	strace $0x90000048  }
0xb6: {  	_ =	sfence  }
0xb7: {  	s30 =	sld [smem:$0x0];
	_ =	sdelay $0x2  }
0xb8: {  	s31 =	sshll.u32 s1, $0xD;
	s1 =	sshrl.u32 s1, $0x2  }
0xb9: {  	s3 =	sand.u32 $0x4000, s31;
	s1 =	sadd.s32 s1, s30  }
0xba: {  	s0 =	sor.u32 s3, s0;
	s1 =	sshll.u32 s1, $0x11  }
0xbb: {  	s0 =	sor.u32 s1, s0  }
0xbc: {  	s0 =	sadd.s32 $0x8F2B, s0  }
0xbd: {  	[sflag:s0] =	ssyncadd.remote.s32 $0x1  }
0xbe: {  	_ =	sfence.sel $0xFFFF  }
0xbf: {  	[dreg:$0x0] =	wrdreg $0xFFFFFFFF;
	(pc) =	sbr.abs _section_cstart, $3  }
0xc0: {  	[dreg:$0x1] =	wrdreg $0xFFFFFFFF  }
0xc1: {  	_ =	task.clear_ibuf [dreg:s7], $0x2FFFF;
	_ =	strace $0x9FFFFFFF  }
0xc2: {  	(tm) =	ssettm $0x7FFFFFFF  }
0xc3: {  	_ =	shalt  }
tec
execute0_lowered:
.L_overlay_start_1:
0x0: {  	(tag) =	ssettag $0x1  }
0x1: {  	v0 =	vimm.s32 $0x4380;
	vm0 =	vcmask $0x300  }
0x2: {  	vm14 =	vcmask $0x704;
	v0 =	vsel vm0, $0x0, v0  }
0x3: {  	s0 =	rddreg [dreg:$0x0];
	s2 =	simm.s32 $0x0;
	vm15 =	vcmask $0xB08;
	s18 =	srdreg.scid;
	v0 =	vsel vm14, $0x80, v0  }
0x4: {  	vm4 =	vcmask $0xF0C;
	s26 =	stileid.u32;
	s17 =	simm.s32 $0x1;
	s28 =	simm.s32 $0x14000;
	v0 =	vsel vm15, $0x100, v0  }
0x5: {  	vm5 =	vcmask $0x1310;
	s29 =	simm.s32 $0xF300;
	s30 =	simm.s32 $0x2;
	s31 =	simm.s32 $0x17300;
	v0 =	vsel vm4, $0x180, v0  }
0x6: {  	vm6 =	vcmask $0x1714;
	[smem:$0x7FF] =	sst s2;
	s3 =	sadd.s32 $0x2A00, s0;
	s1 =	sadd.s32 $0xE00, s0;
	v0 =	vsel vm5, $0x200, v0  }
0x7: {  	vm7 =	vcmask $0x1B18;
	s4 =	sadd.s32 $0x800, s0;
	s19 =	sadd.s32 $0x200, s0;
	s7 =	sand.u32 $0x1, s18;
	v0 =	vsel vm6, $0x280, v0  }
0x8: {  	vm8 =	vcmask $0x1F1C;
	s20 =	sadd.s32 $0x1400, s0;
	_ =	strace $0x80000047;
	[dreg:$0x3] =	wrdreg s1;
	v0 =	vsel vm7, $0x300, v0  }
0x9: {  	vm9 =	vcmask $0x2320;
	s21 =	sadd.s32 $0x1A00, s0;
	s23 =	sadd.s32 $0x2000, s0;
	[dreg:$0x4] =	wrdreg s4;
	v0 =	vsel vm8, $0x380, v0  }
0xa: {  	vm10 =	vcmask $0x2724;
	s24 =	sadd.s32 $0x2600, s0;
	s5 =	sadd.s32 $0x2800, s0;
	[dreg:$0x5] =	wrdreg s19;
	v0 =	vsel vm9, $0x4000, v0  }
0xb: {  	vm11 =	vcmask $0x2B28;
	s14 =	sadd.s32 $0xC82A00, s0;
	s15 =	sshll.u32 s26, $0x1;
	[dreg:$0x6] =	wrdreg s20;
	v0 =	vsel vm10, $0x4080, v0  }
.Ltmp0:
0xc: {  	vm12 =	vcmask $0x2F2C;
	s18 =	simm.s32 $0x2780;
	[dreg:$0x7] =	wrdreg s21;
	v0 =	vsel vm11, $0x4100, v0;
	(pc) =	sbr.rel .LBB2_1-.Ltmp0, $4  }
0xd: {  	vm13 =	vcmask $0x3330;
	s26 =	simm.s32 $0x4000;
	s22 =	ssub.s32 $0x2, s7;
	[dreg:$0x8] =	wrdreg s23;
	v0 =	vsel vm12, $0x4180, v0  }
0xe: {  	s0 =	simm.s32 $0x0;
	[dreg:$0x9] =	wrdreg s24;
	vm14 =	vcmask $0x3734;
	s25 =	sshrl.u32 s22, $0x1;
	v0 =	vsel vm13, $0x4200, v0  }
0xf: {  	[dreg:$0xa] =	wrdreg s5;
	s19 =	simm.s32 $0x4F00;
	vm15 =	vcmask $0x3B38;
	s1 =	ssub.s32 s22, s25;
	v0 =	vsel vm14, $0x4280, v0  }
0x10: {  	v1 =	vimm.f32 $0.0e+00;
	s23 =	simm.s32 $0xED00;
	s24 =	simm.s32 $0xEF80;
	s16 =	smax.u32 s1, $0x1;
	v0 =	vsel vm15, $0x4300, v0  }
.LBB2_16:
0x11: {  	s0 =	sadd.s32 $0x1, s0  }
0x12: {  	p0 =	sne.s32 s0, s16  }
.Ltmp1:
0x13: {  	_ = 	snop;
	(pc) =	sbr.rel @!p0 .LBB2_17-.Ltmp1, $1  }
0x14: {  	_ =	sdelay $0x3  }
.LBB2_1:
0x15: {  	s1 =	rddreg [dreg:$0x3]  }
0x16: {  	[tilespmem:s2], [sflag:$0x1] =	stream.linear.gather [hbm4b:s1+s2], $0x2780, $0x38;
	[tilespmem:$0x17380] =	vst v63  }
0x17: {  	_ =	swait.ge [sflag:s17], $0x2780  }
0x18: {  	[sflag:s17] =	ssyncset.done $0x0  }
0x19: {  	s6 =	rddreg [dreg:$0x4];
	[sflag:s17] =	ssyncadd.s32 $0xFFFFD880  }
0x1a: {  	[tilespmem:s18], [sflag:$0x1] =	stream.linear.gather [hbm4b:s6+s2], $0x2780, $0x38;
	[tilespmem:$0x17380] =	vst v63  }
0x1b: {  	_ =	swait.ge [sflag:s17], $0x2780  }
0x1c: {  	[sflag:s17] =	ssyncset.done $0x0  }
0x1d: {  	s8 =	rddreg [dreg:$0x5];
	[sflag:s17] =	ssyncadd.s32 $0xFFFFD880  }
0x1e: {  	[tilespmem:s19], [sflag:$0x1] =	stream.linear.gather [hbm4b:s8+s2], $0x2780, $0x38;
	[tilespmem:$0x17380] =	vst v63  }
0x1f: {  	_ =	swait.ge [sflag:s17], $0x2780  }
0x20: {  	[sflag:s17] =	ssyncset.done $0x0  }
0x21: {  	s4 =	simm.s32 $0x7680;
	s9 =	rddreg [dreg:$0x6];
	[sflag:s17] =	ssyncadd.s32 $0xFFFFD880  }
0x22: {  	[tilespmem:s4], [sflag:$0x1] =	stream.linear.gather [hbm4b:s9+s2], $0x2780, $0x38;
	[tilespmem:$0x17380] =	vst v63  }
0x23: {  	_ =	swait.ge [sflag:s17], $0x2780  }
0x24: {  	[sflag:s17] =	ssyncset.done $0x0  }
0x25: {  	s11 =	simm.s32 $0x9E00;
	s10 =	rddreg [dreg:$0x7];
	[sflag:s17] =	ssyncadd.s32 $0xFFFFD880  }
0x26: {  	[tilespmem:s11], [sflag:$0x1] =	stream.linear.gather [hbm4b:s10+s2], $0x2780, $0x38;
	[tilespmem:$0x17380] =	vst v63  }
0x27: {  	_ =	swait.ge [sflag:s17], $0x2780  }
0x28: {  	[sflag:s17] =	ssyncset.done $0x0  }
0x29: {  	s13 =	simm.s32 $0xC580;
	s12 =	rddreg [dreg:$0x8];
	[sflag:s17] =	ssyncadd.s32 $0xFFFFD880  }
0x2a: {  	[tilespmem:s13], [sflag:$0x1] =	stream.linear.gather [hbm4b:s12+s2], $0x2780, $0x38;
	[tilespmem:$0x17380] =	vst v63  }
0x2b: {  	_ =	swait.ge [sflag:s17], $0x2780  }
0x2c: {  	[sflag:s17] =	ssyncset.done $0x0  }
0x2d: {  	[sflag:s17] =	ssyncadd.s32 $0xFFFFD880  }
0x2e: {  	s20 =	rddreg [dreg:$0x1]  }
0x2f: {  	[tilespmem:s23], [sflag:$0x1] =	stream.linear.gather [hbm4b:s20+s2], $0x280, $0x38;
	[tilespmem:$0x17380] =	vst v63  }
0x30: {  	_ =	swait.ge [sflag:s17], $0x280  }
0x31: {  	[sflag:s17] =	ssyncset.done $0x0  }
0x32: {  	s21 =	rddreg [dreg:$0x9];
	[sflag:s17] =	ssyncadd.s32 $0xFFFFFD80  }
0x33: {  	[tilespmem:s24], [sflag:$0x1] =	stream.linear.gather [hbm4b:s21+s2], $0x280, $0x38;
	[tilespmem:$0x17380] =	vst v63  }
0x34: {  	_ =	swait.ge [sflag:s17], $0x280  }
0x35: {  	[sflag:s17] =	ssyncset.done $0x0  }
0x36: {  	s25 =	simm.s32 $0xF200;
	s22 =	rddreg [dreg:$0xa];
	[sflag:s17] =	ssyncadd.s32 $0xFFFFFD80  }
0x37: {  	[tilespmem:s25], [sflag:$0x1] =	stream.linear.gather [hbm4b:s22+s2], $0x100, $0x38;
	[tilespmem:$0x17380] =	vst v63  }
0x38: {  	_ =	swait.ge [sflag:s17], $0x100  }
0x39: {  	[sflag:s17] =	ssyncset.done $0x0  }
0x3a: {  	[sflag:s17] =	ssyncadd.s32 $0xFFFFFF00  }
0x3b: {  	v2 =	vld [tilespmem:$0xF200];
	_ =	sdelay $0x4  }
0x3c: {  	[tilespmem:$0x1FFA0] =	vst v2;
	v2 =	vld [tilespmem:$0xF210];
	_ =	sdelay $0x4  }
0x3d: {  	[tilespmem:$0x1FFB0] =	vst v2;
	v2 =	vld [tilespmem:$0xF220];
	_ =	sdelay $0x4  }
0x3e: {  	[tilespmem:$0x1FFC0] =	vst v2;
	v2 =	vld [tilespmem:$0xF230];
	_ =	sdelay $0x4  }
0x3f: {  	[tilespmem:$0x1FFD0] =	vst v2;
	v2 =	vld [tilespmem:$0xF240];
	_ =	sdelay $0x4  }
0x40: {  	[tilespmem:$0x1FFE0] =	vst v2;
	v2 =	vld [tilespmem:$0xF250]  }
.Ltmp2:
0x41: {  	_ = 	snop;
	(pc) =	sbr.rel .LBB2_2-.Ltmp2, $4  }
0x42: {  	v8 =	vld [tilespmem:$0xF260]  }
0x43: {  	v9 =	vld [tilespmem:$0xF270]  }
0x44: {  	v10 =	vld [tilespmem:$0xF280]  }
0x45: {  	s12 =	simm.s32 $0x0;
	v11 =	vld [tilespmem:$0xF290];
	[tilespmem:$0x1FFF0] =	vst v2  }
.LBB2_14:
0x46: {  	_ = 	snop  }
0x47: {  	v2 =	vmul.f32 $-1.000000000e+01, v24;
	_ =	sdelay $0x1  }
0x48: {  	v3 =	vmul.f32 $-1.000000000e+01, v20;
	v2 =	vmul.f32 $1.442695020e+00, v2  }
0x49: {  	v4 =	vld.idx.msk [tilespmem:v28+s18+$0x0], $0xffff  }
0x4a: {  	v5 =	vld.idx.msk [tilespmem:v28+s19+$0x0], $0xffff;
	(erf) = vpow2.f32 v2;
	v2 =	vmul.f32 $1.442695020e+00, v3  }
0x4b: {  	v6 =	vld.idx.msk [tilespmem:v22+s18+$0x0], $0xffff;
	v7 =	vmul.f32 $-1.000000000e+01, v26;
	v3 =	vmul.f32 $-1.000000000e+01, v31  }
0x4c: {  	v63 =	vld.idx.msk [tilespmem:v22+s19+$0x0], $0xffff;
	v29 =	vmul.f32 $-1.000000000e+01, v29;
	(erf) = vpow2.f32 v2  }
0x4d: {  	v36 =	vld.idx.msk [tilespmem:v18+s2+$0x0], $0xffff;
	v27 =	vmul.f32 $-1.000000000e+01, v27;
	v3 =	vmul.f32 $1.442695020e+00, v3  }
0x4e: {  	v37 =	vld.idx.msk [tilespmem:v18+s18+$0x0], $0xffff;
	v46 =	vmul.f32 $-1.000000000e+01, v23;
	v21 =	vmul.f32 $-1.000000000e+01, v21  }
0x4f: {  	v7 =	vmul.f32 $1.442695020e+00, v7;
	v2 =	vld.idx.msk [tilespmem:v28+s2+$0x0], $0xffff;
	(erf) = vpow2.f32 v3  }
0x50: {  	v40 =	vld.idx.msk [tilespmem:v18+s19+$0x0], $0xffff;
	v56 =	vmul.f32 $-1.000000000e+01, v25;
	v29 =	vmul.f32 $1.442695020e+00, v29  }
0x51: {  	v3 =	vld.idx.msk [tilespmem:v22+s2+$0x0], $0xffff;
	(erf) = vpow2.f32 v7;
	v7 =	vmul.f32 $-1.000000000e+01, v30  }
0x52: {  	v42 =	vld.idx.msk [tilespmem:v17+s2+$0x0], $0xffff;
	v48 =	vmul.f32 $1.442695020e+00, v27;
	v20 =	vmul.f32 $1.442695020e+00, v46  }
0x53: {  	v43 =	vld.idx.msk [tilespmem:v17+s18+$0x0], $0xffff;
	v21 =	vmul.f32 $1.442695020e+00, v21;
	v7 =	vmul.f32 $1.442695020e+00, v7;
	v62 =	vpop (erf)  }
0x54: {  	v44 =	vld.idx.msk [tilespmem:v17+s19+$0x0], $0xffff;
	v2 =	vmul.f32 v2, v62;
	v4 =	vmul.f32 v4, v62  }
0x55: {  	v45 =	vld.idx.msk [tilespmem:v19+s19+$0x0], $0xffff;
	(erf) = vpow2.f32 v7;
	v5 =	vmul.f32 v5, v62;
	v39 =	vpop (erf)  }
0x56: {  	v47 =	vld.idx.msk [tilespmem:v16+s2+$0x0], $0xffff;
	v38 =	vadd.f32 $0.0e+00, v2;
	v41 =	vadd.f32 $0.0e+00, v4;
	v3 =	vmul.f32 v3, v39  }
0x57: {  	v49 =	vld.idx.msk [tilespmem:v16+s18+$0x0], $0xffff;
	v6 =	vmul.f32 v6, v39;
	v32 =	vadd.f32 $0.0e+00, v5;
	v22 =	vmul.f32 v63, v39  }
0x58: {  	v52 =	vld.idx.msk [tilespmem:v16+s19+$0x0], $0xffff;
	v60 =	vmul.f32 $1.442695020e+00, v56;
	v33 =	vpop (erf);
	(erf) = vpow2.f32 v29;
	v26 =	vadd.f32 v3, v38  }
0x59: {  	v54 =	vld.idx.msk [tilespmem:v15+s2+$0x0], $0xffff;
	v30 =	vadd.f32 v6, v41;
	v32 =	vadd.f32 v22, v32;
	v24 =	vmul.f32 v36, v33  }
0x5a: {  	v55 =	vld.idx.msk [tilespmem:v15+s18+$0x0], $0xffff;
	v2 =	vmax.f32 v2, v3;
	v4 =	vmax.f32 v4, v6;
	(erf) = vpow2.f32 v48  }
0x5b: {  	v7 =	vld.idx.msk [tilespmem:v19+s2+$0x0], $0xffff;
	v6 =	vmul.f32 v37, v33;
	v5 =	vmax.f32 v5, v22;
	v18 =	vmul.f32 v40, v33;
	v51 =	vpop (erf)  }
0x5c: {  	v3 =	vld.idx.msk [tilespmem:v19+s18+$0x0], $0xffff;
	v31 =	vmul.f32 v42, v51;
	(erf) = vpow2.f32 v20;
	v26 =	vadd.f32 v24, v26  }
0x5d: {  	v57 =	vld.idx.msk [tilespmem:v15+s19+$0x0], $0xffff;
	v17 =	vmul.f32 v44, v51;
	v50 =	vadd.f32 v6, v30;
	v53 =	vadd.f32 v18, v32  }
0x5e: {  	v59 =	vld.idx.msk [tilespmem:v14+s2+$0x0], $0xffff;
	v2 =	vmax.f32 v2, v24;
	v4 =	vmax.f32 v4, v6;
	(erf) = vpow2.f32 v21  }
0x5f: {  	v46 =	vld.idx.msk [tilespmem:v12+s2+$0x0], $0xffff;
	v6 =	vmul.f32 v43, v51;
	v5 =	vmax.f32 v5, v18;
	v2 =	vmax.f32 v2, v31;
	v58 =	vpop (erf)  }
0x60: {  	v56 =	vld [tilespmem:$0x1FFA0];
	v61 =	vadd.f32 v31, v26;
	(erf) = vpow2.f32 v60;
	v7 =	vmul.f32 v7, v58  }
0x61: {  	v63 =	vld.idx.msk [tilespmem:v14+s18+$0x0], $0xffff;
	v5 =	vmax.f32 v5, v17;
	v62 =	vadd.f32 v6, v50;
	v3 =	vmul.f32 v3, v58;
	v37 =	vpop (erf)  }
0x62: {  	v38 =	vld.idx.msk [tilespmem:v13+s2+$0x0], $0xffff;
	v4 =	vmax.f32 v4, v6;
	v39 =	vadd.f32 v7, v61;
	v22 =	vmul.f32 v47, v37  }
0x63: {  	s4 =	sshll.u32 s1, $0x4;
	v41 =	vld.idx.msk [tilespmem:v13+s18+$0x0], $0xffff;
	v6 =	vmul.f32 v45, v58;
	v40 =	vadd.f32 v3, v62;
	v42 =	vpop (erf);
	v27 =	vmul.f32 v49, v37  }
0x64: {  	v16 =	vmul.f32 v52, v37;
	v49 =	vld [tilespmem:s4+$0x7680];
	v45 =	vmul.f32 v54, v42;
	v44 =	vadd.f32 v22, v39  }
0x65: {  	v23 =	vadd.f32 v17, v53;
	v52 =	vld [tilespmem:s4+$0x9E00];
	v47 =	vpop (erf);
	v20 =	vmul.f32 v55, v42;
	v15 =	vmul.f32 v57, v42  }
0x66: {  	v57 =	vld [tilespmem:$0x1FFB0];
	v24 =	vadd.f32 v27, v40;
	v25 =	vmul.f32 v59, v47;
	v17 =	vadd.f32 v45, v44  }
0x67: {  	v48 =	vld.idx.msk [tilespmem:v12+s18+$0x0], $0xffff;
	v2 =	vmax.f32 v2, v7;
	v50 =	vpop (erf);
	v51 =	vmul.f32 v63, v47  }
0x68: {  	v58 =	vld [tilespmem:$0x1FFC0];
	v18 =	vmul.f32 v38, v50;
	v7 =	vadd.f32 v20, v24;
	v17 =	vadd.f32 v25, v17  }
0x69: {  	v55 =	vld [tilespmem:s4+$0xC580];
	v26 =	vmul.f32 v41, v50;
	v54 =	vpop (erf)  }
0x6a: {  	v36 =	vld.idx.msk [tilespmem:v14+s19+$0x0], $0xffff;
	v21 =	vmul.f32 v46, v54;
	v7 =	vadd.f32 v51, v7;
	v17 =	vadd.f32 v18, v17  }
0x6b: {  	v23 =	vadd.f32 v6, v23;
	v61 =	vld [tilespmem:$0x1FFD0];
	v29 =	vmul.f32 v49, v56;
	v28 =	vmul.f32 v52, v57  }
0x6c: {  	v43 =	vld.idx.msk [tilespmem:v13+s19+$0x0], $0xffff;
	v31 =	vmul.f32 v48, v54;
	v7 =	vadd.f32 v26, v7;
	v17 =	vadd.f32 v21, v17  }
0x6d: {  	v62 =	vld [tilespmem:$0x1FFE0];
	v23 =	vadd.f32 v16, v23;
	v28 =	vadd.f32 v28, v29  }
0x6e: {  	v53 =	vld.idx.msk [tilespmem:v12+s19+$0x0], $0xffff;
	v29 =	vmul.f32 v55, v58;
	v7 =	vadd.f32 v31, v7;
	v17 =	vmul.f32 $1.000000010e-01, v17  }
0x6f: {  	v14 =	vmul.f32 v36, v47;
	v23 =	vadd.f32 v15, v23  }
0x70: {  	v60 =	vadd.f32 v29, v28;
	v7 =	vmul.f32 $1.000000010e-01, v7;
	v17 =	vmul.f32 v17, v61  }
0x71: {  	v13 =	vmul.f32 v43, v50;
	v23 =	vadd.f32 v14, v23  }
0x72: {  	v5 =	vmax.f32 v5, v6;
	v7 =	vmul.f32 v7, v62;
	v6 =	vadd.f32 v60, v17  }
0x73: {  	v12 =	vmul.f32 v53, v54;
	v23 =	vadd.f32 v13, v23  }
0x74: {  	v6 =	vadd.f32 v6, v7;
	v7 =	vld [tilespmem:$0x1FFF0]  }
0x75: {  	v59 =	vadd.f32 v12, v23  }
0x76: {  	v2 =	vmax.f32 v2, v22  }
0x77: {  	v3 =	vmax.f32 v4, v3;
	v2 =	vmax.f32 v2, v45;
	v4 =	vmul.f32 $1.000000010e-01, v59  }
0x78: {  	v3 =	vmax.f32 v3, v27;
	v5 =	vmax.f32 v5, v16;
	v2 =	vmax.f32 v2, v25  }
0x79: {  	v3 =	vmax.f32 v3, v20;
	v2 =	vmax.f32 v2, v18;
	v4 =	vmul.f32 v4, v7  }
0x7a: {  	v5 =	vmax.f32 v5, v15;
	v3 =	vmax.f32 v3, v51;
	v2 =	vmax.f32 v2, v21  }
0x7b: {  	v3 =	vmax.f32 v3, v26;
	v2 =	vmul.f32 v2, v8;
	v4 =	vadd.f32 v6, v4  }
0x7c: {  	v5 =	vmax.f32 v5, v14;
	v3 =	vmax.f32 v3, v31  }
0x7d: {  	v5 =	vmax.f32 v5, v13;
	v3 =	vmul.f32 v3, v9;
	v2 =	vadd.f32 v4, v2  }
0x7e: {  	v63 =	vmax.f32 v5, v12  }
0x7f: {  	v2 =	vadd.f32 v2, v3;
	v3 =	vmul.f32 v63, v10;
	_ =	sdelay $0x1  }
0x80: {  	v2 =	vadd.f32 v2, v3;
	_ =	sdelay $0x1  }
0x81: {  	v2 =	vadd.f32 v2, v11  }
0x82: {  	s25 =	sshll.u32 s1, $0x1  }
0x83: {  	s1 =	sadd.s32 s14, s25;
	[tilespmem:$0x17300] =	vst v2  }
0x84: {  	[hbm4b:s1+s2] =	stream.linear.scatter [tilespmem:s31], [sflag:$0x1], $0x10, $0x38;
	[tilespmem:$0x17380] =	vst v63  }
0x85: {  	_ =	swait.ge [sflag:s17], $0x10  }
0x86: {  	[sflag:s17] =	ssyncset.done $0x0  }
0x87: {  	[sflag:s17] =	ssyncadd.s32 $0xFFFFFFF0  }
.LBB2_15:
0x88: {  	s12 =	sadd.s32 $0x1, s12  }
0x89: {  	p0 =	sne.s32 s12, $0x14  }
.Ltmp3:
0x8a: {  	_ = 	snop;
	(pc) =	sbr.rel @!p0 .LBB2_16-.Ltmp3, $1  }
0x8b: {  	_ =	sdelay $0x3  }
.LBB2_2:
0x8c: {  	s1 =	sshll.u32 s12, $0x5  }
0x8d: {  	s1 =	sor.u32 s1, s15  }
0x8e: {  	s1 =	sor.u32 s7, s1  }
0x8f: {  	p0 =	sgt.u32 s1, $0x270  }
.Ltmp4:
0x90: {  	_ = 	snop;
	(pc) =	sbr.rel @p0 .LBB2_15-.Ltmp4, $1  }
0x91: {  	_ =	sdelay $0x3  }
0x92: {  	v12 =	vmov s1;
	_ =	sdelay $0x4  }
0x93: {  	v13 =	vld.idx.msk [tilespmem:v12+s23+$0x0], $0xffff;
	_ =	sdelay $0x1  }
0x94: {  	v12 =	vld.idx.msk [tilespmem:v12+s24+$0x0], $0xffff;
	_ =	sdelay $0x2  }
0x95: {  	v13 =	vxor.u32 $0x80000000, v13  }
0x96: {  	(xrf0) =	vmin.scan.msk.u32 $0xffff, v13  }
0x97: {  	v12 =	vxor.u32 $0x80000000, v12  }
0x98: {  	(xrf0) =	vmin.scan.msk.u32 $0xffff, v12;
	_ =	sdelay $0x3  }
0x99: {  	v12, _, _ =	vpop (xrf0)  }
0x9a: {  	(v2sf) =	vpush v12, $0xF  }
0x9b: {  	v12, _, _ =	vpop (xrf0)  }
0x9c: {  	(v2sf) =	vpush v12, $0xF;
	_ =	sdelay $0x9  }
0x9d: {  	v25 =	vimm.f32 $1.000000000e+10;
	v14 =	vimm.s32 $0x0  }
0x9e: {  	v15 =	vimm.s32 $0x0;
	v16 =	vimm.s32 $0x0;
	v19 =	vimm.s32 $0x0  }
.Ltmp5:
0x9f: {  	v17 =	vimm.s32 $0x0;
	v18 =	vimm.s32 $0x0;
	v22 =	vimm.s32 $0x0;
	(pc) =	sbr.rel .LBB2_4-.Ltmp5, $4  }
0xa0: {  	v28 =	vimm.s32 $0x0;
	s25 =	smul.u32 $0x5000, s1;
	v21 =	vimm.f32 $1.000000000e+10;
	v23 =	vimm.f32 $1.000000000e+10;
	s4 =	spop (v2sf)  }
0xa1: {  	v27 =	vimm.f32 $1.000000000e+10;
	v29 =	vimm.f32 $1.000000000e+10;
	v30 =	vimm.f32 $1.000000000e+10;
	s20 =	sxor.u32 $0x80000000, s4  }
0xa2: {  	v26 =	vimm.f32 $1.000000000e+10;
	v31 =	vimm.f32 $1.000000000e+10;
	v20 =	vimm.f32 $1.000000000e+10;
	s25 =	sadd.s32 s3, s25;
	s6 =	spop (v2sf);
	s13 =	sand.u32 $0xFFFFFF80, s20  }
0xa3: {  	v24 =	vimm.f32 $1.000000000e+10;
	v13 =	vimm.s32 $0x0;
	v12 =	vimm.s32 $0x0;
	s4 =	simm.s32 $0x0;
	s22 =	sxor.u32 $0x80000000, s6;
	s5 =	smov.u32 s13  }
.LBB2_13:
0xa4: {  	s4 =	sadd.s32 $0x1, s4  }
0xa5: {  	p0 =	sne.s32 s4, $0x6  }
.Ltmp6:
0xa6: {  	_ = 	snop;
	(pc) =	sbr.rel @!p0 .LBB2_14-.Ltmp6, $2  }
0xa7: {  	_ =	sdelay $0x2  }
0xa8: {  	s5 =	sadd.s32 $0x800, s5  }
.LBB2_4:
0xa9: {  	s6 =	sshll.u32 s4, $0xB  }
0xaa: {  	s6 =	sadd.s32 s13, s6  }
0xab: {  	s8 =	sadd.s32 $0x800, s6  }
0xac: {  	p0 =	sgt.s32 s20, s6;
	s9 =	smov.u32 s6;
	p1 =	slt.s32 s22, s8  }
0xad: {  	s9 =	smov.u32 @p0 s20;
	s8 =	smov.u32 @p1 s22  }
0xae: {  	p0 =	sle.s32 s8, s9  }
.Ltmp7:
0xaf: {  	_ = 	snop;
	(pc) =	sbr.rel @p0 .LBB2_13-.Ltmp7, $1  }
0xb0: {  	_ =	sdelay $0x3  }
0xb1: {  	s9 =	ssub.s32 s8, s9  }
0xb2: {  	p0 =	slt.s32 s6, $0x2000;
	s11 =	sshra.s32 s9, $0x1  }
0xb3: {  	s6 =	simm.s32 @!p0 $0x2000;
	p0 =	slt.s32 s11, $0x1  }
.Ltmp8:
0xb4: {  	s10 =	sadd.s32 s6, s25;
	(pc) =	sbr.rel @p0 .LBB2_11-.Ltmp8, $4  }
0xb5: {  	[tilespmem:s29], [sflag:$0x2] =	stream.strided.gather [hbm4b:s10+s26], $0x8000, s28, s26, $0x38;
	[tilespmem:$0x17380] =	vst v63  }
0xb6: {  	_ =	swait.ge [sflag:s30], $0x8000  }
0xb7: {  	[sflag:s30] =	ssyncset.done $0x0  }
0xb8: {  	[sflag:s30] =	ssyncadd.s32 $0xFFFF8000  }
0xb9: {  	p0 =	sgt.s32 s5, s20  }
0xba: {  	s10 =	smov.u32 s20;
	p1 =	slt.s32 s5, $0x2000;
	s21 =	smov.u32 s5  }
0xbb: {  	s10 =	smov.u32 @p0 s5;
	s21 =	simm.s32 @!p1 $0x2000  }
0xbc: {  	s10 =	ssub.s32 s10, s21  }
0xbd: {  	v33 =	vmov s10  }
0xbe: {  	v32 =	vshll.u32 v33, $0x3  }
0xbf: {  	v34 =	vand.u32 $0x7F, v33;
	v32 =	vand.u32 $0xFFFFFC00, v32  }
0xc0: {  	s11 =	sadd.s32 $0xFFFFFFFF, s11;
	v32 =	vor.u32 v34, v32  }
0xc1: {  	p1 =	sne.s32 s11, $0x0;
	v34 =	vadd.s32 v0, v32  }
.Ltmp9:
0xc2: {  	_ = 	snop;
	(pc) =	sbr.rel @!p1 .LBB2_7-.Ltmp9, $2  }
0xc3: {  	_ =	sdelay $0x2  }
0xc4: {  	p0 =	por $0x0, $0x0;
	v32 =	vmov s6;
	v39 =	vld.idx.msk [tilespmem:v34+s29+$0x0], $0xffff  }
0xc5: {  	_ =	sdelay $0x3  }
0xc6: {  	vm0 =	vlt.f32 v39, v25  }
0xc7: {  	v34 =	vsel vm0, $0x3F800000, v1  }
0xc8: {  	(xrf0) =	vmax.scan.msk.f32 $0xffff, v34;
	_ =	sdelay $0x5  }
0xc9: {  	v34, _, _ =	vpop (xrf0)  }
0xca: {  	(v2sf) =	vpush v34, $0xF;
	_ =	sdelay $0xe  }
0xcb: {  	s21 =	spop (v2sf)  }
0xcc: {  	p0 =	sgt.f32 s21, $0.0e+00;
	_ =	sdelay $0x1  }
0xcd: {  	vm3 =	vlt.f32 @p0 v39, v24  }
0xce: {  	v34 =	vsel @p0 vm3, v24, v39  }
0xcf: {  	vm2 =	vlt.f32 @p0 v34, v20  }
0xd0: {  	v35 =	vsel @p0 vm2, v20, v34  }
0xd1: {  	vm1 =	vlt.f32 @p0 v35, v31  }
0xd2: {  	v36 =	vsel @p0 vm1, v31, v35  }
0xd3: {  	s21 =	sadd.s32 $0x1, s10;
	vm4 =	vlt.f32 @p0 v36, v26  }
0xd4: {  	v45 =	vmov s21;
	v37 =	vsel @p0 vm4, v26, v36  }
0xd5: {  	v38 =	vshll.u32 v45, $0x3;
	vm7 =	vlt.f32 @p0 v37, v30  }
0xd6: {  	v40 =	vand.u32 $0x7F, v45;
	v38 =	vand.u32 $0xFFFFFC00, v38;
	v41 =	vsel @p0 vm7, v30, v37  }
0xd7: {  	v38 =	vor.u32 v40, v38;
	vm0 =	vlt.f32 @p0 v41, v29  }
0xd8: {  	v38 =	vadd.s32 v0, v38;
	v40 =	vsel @p0 vm0, v29, v41  }
0xd9: {  	vm9 =	vlt.f32 @p0 v40, v27  }
0xda: {  	v43 =	vsel @p0 vm9, v27, v40  }
0xdb: {  	vm8 =	vlt.f32 @p0 v43, v23  }
0xdc: {  	v44 =	vsel @p0 vm8, v23, v43  }
0xdd: {  	v49 =	vld.idx.msk [tilespmem:v38+s29+$0x0], $0xffff;
	vm5 =	vlt.f32 @p0 v44, v21  }
0xde: {  	v38 =	vsel @p0 vm5, v21, v44  }
0xdf: {  	vm6 =	vlt.f32 @p0 v38, v25  }
0xe0: {  	v38 =	vsel @p0 vm6, v38, v25  }
0xe1: {  	v42 =	vpsel p0, v38, v25  }
0xe2: {  	vm10 =	vlt.f32 v49, v42  }
0xe3: {  	v61 =	vsel vm10, $0x3F800000, v1  }
0xe4: {  	(xrf0) =	vmax.scan.msk.f32 $0xffff, v61;
	_ =	sdelay $0x5  }
0xe5: {  	v38, _, _ =	vpop (xrf0)  }
0xe6: {  	v33 =	vadd.s32 @p0 v32, v33;
	(v2sf) =	vpush v38, $0xF  }
0xe7: {  	s10 =	sadd.s32 $0x2, s10;
	v46 =	vsel @p0 vm3, v28, v33;
	v33 =	vsel @p0 vm3, v33, v28  }
0xe8: {  	v39 =	vsel @p0 vm3, v39, v24;
	v28 =	vpsel p0, v33, v28;
	v33 =	vmov s10  }
0xe9: {  	v24 =	vpsel p0, v39, v24;
	v48 =	vsel @p0 vm2, v34, v20;
	v62 =	vshll.u32 v33, $0x3  }
0xea: {  	v63 =	vand.u32 $0x7F, v33;
	v20 =	vpsel p0, v48, v20;
	v51 =	vsel @p0 vm4, v36, v26  }
0xeb: {  	v53 =	vsel @p0 vm1, v35, v31;
	v26 =	vpsel p0, v51, v26;
	v51 =	vand.u32 $0xFFFFFC00, v62  }
0xec: {  	v50 =	vsel @p0 vm7, v37, v30;
	v39 =	vor.u32 v63, v51;
	v56 =	vsel @p0 vm0, v41, v29  }
0xed: {  	v50 =	vpsel p0, v50, v30;
	v39 =	vadd.s32 v0, v39;
	v48 =	vpsel p0, v56, v29  }
0xee: {  	v35 =	vsel @p0 vm9, v40, v27;
	v54 =	vsel @p0 vm8, v43, v23;
	v38 =	vsel @p0 vm2, v22, v46  }
0xef: {  	v59 =	vsel @p0 vm5, v44, v21;
	v46 =	vsel @p0 vm2, v46, v22;
	v47 =	vsel @p0 vm1, v18, v38  }
0xf0: {  	v38 =	vsel @p0 vm1, v38, v18;
	v46 =	vpsel p0, v46, v22;
	v34 =	vsel @p0 vm4, v17, v47  }
0xf1: {  	v52 =	vsel @p0 vm4, v47, v17;
	v43 =	vpsel p0, v38, v18;
	v36 =	vsel @p0 vm7, v19, v34  }
0xf2: {  	v47 =	vsel @p0 vm7, v34, v19;
	v34 =	vsel @p0 vm0, v16, v36;
	v36 =	vsel @p0 vm0, v36, v16  }
0xf3: {  	v37 =	vsel @p0 vm9, v15, v34;
	v40 =	vsel @p0 vm9, v34, v15;
	v34 =	vpsel p0, v35, v27  }
0xf4: {  	v36 =	vpsel p0, v36, v16;
	v55 =	vsel @p0 vm8, v37, v14;
	v37 =	vsel @p0 vm8, v14, v37  }
0xf5: {  	v35 =	vsel @p0 vm5, v13, v37;
	v41 =	vsel @p0 vm5, v37, v13;
	v37 =	vpsel p0, v40, v15;
	s21 =	spop (v2sf)  }
0xf6: {  	v40 =	vpsel p0, v55, v14;
	v44 =	vsel @p0 vm6, v35, v12;
	v35 =	vpsel p0, v41, v13;
	p3 =	sgt.f32 s21, $0.0e+00  }
0xf7: {  	v41 =	vpsel p0, v47, v19;
	v47 =	vpsel p0, v54, v23;
	v54 =	vpsel p0, v53, v31  }
0xf8: {  	v38 =	vpsel p0, v44, v12;
	v45 =	vadd.s32 @p3 v32, v45;
	vm0 =	vlt.f32 @p3 v49, v24  }
0xf9: {  	v44 =	vpsel p0, v52, v17;
	v51 =	vsel @p3 vm0, v24, v49;
	v52 =	vsel @p3 vm0, v28, v45  }
0xfa: {  	v53 =	vsel @p3 vm0, v49, v24;
	v45 =	vsel @p3 vm0, v45, v28;
	vm0 =	vlt.f32 @p3 v51, v20  }
0xfb: {  	v28 =	vpsel p3, v45, v28;
	v49 =	vsel @p3 vm0, v51, v20;
	v55 =	vsel @p3 vm0, v20, v51  }
0xfc: {  	s11 =	sadd.s32 $0xFFFFFFFF, s11;
	v56 =	vsel @p3 vm0, v46, v52;
	v51 =	vsel @p3 vm0, v52, v46;
	vm0 =	vlt.f32 @p3 v55, v54  }
0xfd: {  	p1 =	sne.s32 s11, $0x0;
	v20 =	vpsel p3, v49, v20;
	v57 =	vsel @p3 vm0, v55, v54;
	v52 =	vsel @p3 vm0, v54, v55  }
.Ltmp10:
0xfe: {  	v55 =	vsel @p3 vm0, v43, v56;
	v49 =	vsel @p3 vm0, v56, v43;
	vm0 =	vlt.f32 @p3 v52, v26;
	(pc) =	sbr.rel @!p1 .LBB2_10-.Ltmp10, $4  }
0xff: {  	v24 =	vpsel p3, v53, v24;
	v58 =	vsel @p3 vm0, v26, v52;
	v60 =	vsel @p3 vm0, v44, v55  }
0x100: {  	v45 =	vsel @p3 vm0, v52, v26;
	v55 =	vsel @p3 vm0, v55, v44;
	vm1 =	vlt.f32 @p3 v58, v50  }
0x101: {  	v26 =	vpsel p3, v45, v26;
	v45 =	vpsel p0, v59, v21;
	v56 =	vsel @p3 vm1, v50, v58  }
0x102: {  	v39 =	vld.idx.msk [tilespmem:v39+s29+$0x0], $0xffff;
	p0 =	por $0x1, $0x1;
	v53 =	vsel @p3 vm1, v41, v60;
	v52 =	vsel @p3 vm1, v60, v41;
	vm0 =	vlt.f32 @p3 v56, v48  }
.LBB2_9:
0x103: {  	s11 =	sadd.s32 $0xFFFFFFFF, s11;
	v59 =	vsel @p3 vm0, v48, v56;
	v43 =	vpsel p3, v49, v43;
	v44 =	vpsel p3, v55, v44  }
0x104: {  	v49 =	vpsel p3, v57, v54;
	v46 =	vpsel p3, v51, v46;
	p1 =	sne.s32 s11, $0x0;
	vm2 =	vlt.f32 @p3 v59, v34  }
0x105: {  	v51 =	vsel @p3 vm0, v36, v53;
	v54 =	vsel @p3 vm2, v59, v34;
	v55 =	vsel @p3 vm2, v34, v59  }
0x106: {  	v57 =	vsel @p3 vm2, v51, v37;
	v51 =	vsel @p3 vm2, v37, v51;
	vm2 =	vlt.f32 @p3 v55, v47  }
0x107: {  	v58 =	vsel @p3 vm1, v58, v50;
	v59 =	vsel @p3 vm2, v47, v55;
	v60 =	vsel @p3 vm2, v40, v51  }
0x108: {  	v50 =	vpsel p3, v58, v50;
	v51 =	vsel @p3 vm2, v51, v40;
	vm1 =	vlt.f32 @p3 v59, v45  }
0x109: {  	v58 =	vsel @p3 vm1, v59, v45;
	v59 =	vsel @p3 vm1, v45, v59;
	v61 =	vsel @p3 vm1, v35, v60  }
0x10a: {  	v60 =	vsel @p3 vm1, v60, v35;
	vm1 =	vlt.f32 @p3 v59, v42;
	v45 =	vpsel p3, v58, v45  }
0x10b: {  	v55 =	vsel @p3 vm2, v55, v47;
	v58 =	vsel @p3 vm1, v59, v42;
	v59 =	vsel @p3 vm1, v61, v38  }
0x10c: {  	v40 =	vpsel p3, v51, v40;
	v42 =	vpsel p3, v58, v42;
	v38 =	vpsel p3, v59, v38  }
0x10d: {  	v37 =	vpsel p3, v57, v37;
	v47 =	vpsel p3, v55, v47;
	vm1 =	vlt.f32 v39, v42  }
0x10e: {  	v53 =	vsel @p3 vm0, v53, v36;
	v55 =	vsel @p3 vm0, v56, v48;
	v51 =	vsel vm1, $0x3F800000, v1  }
0x10f: {  	v36 =	vpsel p3, v53, v36;
	v34 =	vpsel p3, v54, v34;
	v48 =	vpsel p3, v55, v48;
	(xrf0) =	vmax.scan.msk.f32 $0xffff, v51  }
0x110: {  	v41 =	vpsel p3, v52, v41;
	v35 =	vpsel p3, v60, v35;
	_ =	sdelay $0x4  }
0x111: {  	v51, _, _ =	vpop (xrf0)  }
0x112: {  	(v2sf) =	vpush v51, $0xF;
	_ =	sdelay $0xe  }
0x113: {  	s21 =	spop (v2sf)  }
0x114: {  	p2 =	sgt.f32 s21, $0.0e+00;
	_ =	sdelay $0x1  }
0x115: {  	v33 =	vadd.s32 @p2 v32, v33;
	vm0 =	vlt.f32 @p2 v39, v24  }
0x116: {  	v51 =	vsel @p2 vm0, v33, v28;
	v52 =	vsel @p2 vm0, v24, v39;
	v33 =	vsel @p2 vm0, v28, v33  }
0x117: {  	v39 =	vsel @p2 vm0, v39, v24;
	vm0 =	vlt.f32 @p2 v52, v20  }
0x118: {  	v53 =	vsel @p2 vm0, v33, v46;
	v54 =	vsel @p2 vm0, v20, v52;
	v33 =	vsel @p2 vm0, v46, v33  }
0x119: {  	s21 =	sadd.s32 $0x1, s10;
	v52 =	vsel @p2 vm0, v52, v20;
	vm0 =	vlt.f32 @p2 v54, v49  }
0x11a: {  	v57 =	vmov s21;
	v55 =	vsel @p2 vm0, v49, v54;
	v56 =	vsel @p2 vm0, v43, v33  }
0x11b: {  	v58 =	vand.u32 $0x7F, v57;
	v33 =	vsel @p2 vm0, v33, v43;
	vm1 =	vlt.f32 @p2 v55, v26  }
0x11c: {  	v61 =	vshll.u32 v57, $0x3;
	v59 =	vsel @p2 vm1, v26, v55;
	v60 =	vsel @p2 vm1, v44, v56  }
0x11d: {  	v61 =	vand.u32 $0xFFFFFC00, v61;
	v55 =	vsel @p2 vm1, v55, v26;
	vm2 =	vlt.f32 @p2 v59, v50  }
0x11e: {  	v58 =	vor.u32 v58, v61;
	v62 =	vsel @p2 vm2, v50, v59;
	v63 =	vsel @p2 vm2, v41, v60  }
0x11f: {  	v58 =	vadd.s32 v0, v58;
	v56 =	vsel @p2 vm1, v56, v44;
	vm1 =	vlt.f32 @p2 v62, v48  }
0x120: {  	v60 =	vsel @p2 vm2, v60, v41;
	v61 =	vsel @p2 vm1, v62, v48;
	v62 =	vsel @p2 vm1, v48, v62  }
0x121: {  	v59 =	vsel @p2 vm2, v59, v50;
	v2 =	vsel @p2 vm1, v36, v63;
	vm2 =	vlt.f32 @p2 v62, v34  }
0x122: {  	v3 =	vsel @p2 vm2, v62, v34;
	v62 =	vsel @p2 vm2, v34, v62;
	v4 =	vsel @p2 vm2, v37, v2  }
0x123: {  	v54 =	vsel @p2 vm0, v54, v49;
	vm0 =	vlt.f32 @p2 v62, v47;
	v34 =	vpsel p2, v3, v34  }
0x124: {  	v3 =	vsel @p2 vm0, v62, v47;
	v5 =	vsel @p2 vm0, v4, v40;
	v62 =	vsel @p2 vm0, v47, v62;
	v58 =	vld.idx.msk [tilespmem:v58+s29+$0x0], $0xffff  }
0x125: {  	v2 =	vsel @p2 vm2, v2, v37;
	v4 =	vsel @p2 vm0, v40, v4;
	vm0 =	vlt.f32 @p2 v62, v45  }
0x126: {  	v6 =	vsel @p2 vm0, v62, v45;
	v7 =	vsel @p2 vm0, v4, v35;
	v62 =	vsel @p2 vm0, v45, v62  }
0x127: {  	v63 =	vsel @p2 vm1, v63, v36;
	v4 =	vsel @p2 vm0, v35, v4;
	vm0 =	vlt.f32 @p2 v62, v42  }
0x128: {  	v62 =	vsel @p2 vm0, v62, v42;
	v4 =	vsel @p2 vm0, v4, v38  }
0x129: {  	v42 =	vpsel p2, v62, v42  }
0x12a: {  	vm0 =	vlt.f32 v58, v42  }
0x12b: {  	v62 =	vsel vm0, $0x3F800000, v1  }
0x12c: {  	(xrf0) =	vmax.scan.msk.f32 $0xffff, v62;
	_ =	sdelay $0x5  }
0x12d: {  	v62, _, _ =	vpop (xrf0)  }
0x12e: {  	(v2sf) =	vpush v62, $0xF;
	_ =	sdelay $0x9  }
0x12f: {  	v28 =	vpsel p2, v51, v28  }
0x130: {  	v36 =	vpsel p2, v63, v36;
	v37 =	vpsel p2, v2, v37  }
0x131: {  	v43 =	vpsel p2, v33, v43;
	v35 =	vpsel p2, v7, v35;
	v38 =	vpsel p2, v4, v38  }
0x132: {  	v46 =	vpsel p2, v53, v46;
	v41 =	vpsel p2, v60, v41;
	v40 =	vpsel p2, v5, v40  }
0x133: {  	s10 =	sadd.s32 $0x2, s10;
	v44 =	vpsel p2, v56, v44;
	v50 =	vpsel p2, v59, v50;
	v47 =	vpsel p2, v3, v47  }
0x134: {  	v33 =	vmov s10;
	v54 =	vpsel p2, v54, v49;
	v2 =	vpsel p2, v55, v26;
	s21 =	spop (v2sf)  }
0x135: {  	v3 =	vshll.u32 v33, $0x3;
	v5 =	vpsel p2, v52, v20;
	v4 =	vpsel p2, v39, v24;
	p3 =	sgt.f32 s21, $0.0e+00  }
0x136: {  	v48 =	vpsel p2, v61, v48;
	v3 =	vand.u32 $0xFFFFFC00, v3;
	v7 =	vand.u32 $0x7F, v33  }
0x137: {  	v3 =	vor.u32 v7, v3;
	v7 =	vadd.s32 @p3 v32, v57;
	vm0 =	vlt.f32 @p3 v58, v4  }
0x138: {  	v3 =	vadd.s32 v0, v3;
	v20 =	vsel @p3 vm0, v4, v58;
	v24 =	vsel @p3 vm0, v28, v7  }
0x139: {  	v26 =	vsel @p3 vm0, v58, v4;
	v7 =	vsel @p3 vm0, v7, v28;
	vm0 =	vlt.f32 @p3 v20, v5  }
0x13a: {  	v39 =	vsel @p3 vm0, v20, v5;
	v49 =	vsel @p3 vm0, v5, v20;
	v52 =	vsel @p3 vm0, v46, v24  }
0x13b: {  	v51 =	vsel @p3 vm0, v24, v46;
	vm0 =	vlt.f32 @p3 v49, v54;
	v20 =	vpsel p3, v39, v5  }
0x13c: {  	v57 =	vsel @p3 vm0, v49, v54;
	v5 =	vsel @p3 vm0, v54, v49;
	v53 =	vsel @p3 vm0, v43, v52  }
.Ltmp11:
0x13d: {  	v28 =	vpsel p3, v7, v28;
	v49 =	vsel @p3 vm0, v52, v43;
	v39 =	vld.idx.msk [tilespmem:v3+s29+$0x0], $0xffff;
	vm0 =	vlt.f32 @p3 v5, v2;
	(pc) =	sbr.rel @p1 .LBB2_9-.Ltmp11, $4  }
0x13e: {  	v24 =	vpsel p3, v26, v4;
	v58 =	vsel @p3 vm0, v2, v5;
	v3 =	vsel @p3 vm0, v44, v53  }
0x13f: {  	v4 =	vsel @p3 vm0, v5, v2;
	v55 =	vsel @p3 vm0, v53, v44;
	vm1 =	vlt.f32 @p3 v58, v50  }
0x140: {  	v26 =	vpsel p3, v4, v2;
	v56 =	vsel @p3 vm1, v50, v58;
	v53 =	vsel @p3 vm1, v41, v3  }
0x141: {  	v45 =	vpsel p2, v6, v45;
	v52 =	vsel @p3 vm1, v3, v41;
	vm0 =	vlt.f32 @p3 v56, v48  }
.LBB2_10:
0x142: {  	p2 =	por !p3, !p0  }
0x143: {  	v2 =	vsel @!p2 vm0, v48, v56  }
0x144: {  	vm3 =	vlt.f32 @!p2 v2, v34  }
0x145: {  	v3 =	vsel @!p2 vm3, v34, v2  }
0x146: {  	vm4 =	vlt.f32 @!p2 v3, v47  }
0x147: {  	v4 =	vsel @!p2 vm4, v47, v3  }
0x148: {  	vm5 =	vlt.f32 @!p2 v4, v45  }
0x149: {  	v5 =	vsel @!p2 vm5, v45, v4  }
0x14a: {  	vm6 =	vlt.f32 @!p2 v5, v42  }
0x14b: {  	v5 =	vsel @!p2 vm6, v5, v42  }
0x14c: {  	v5 =	vpsel p2, v42, v5  }
0x14d: {  	v5 =	vpsel p0, v5, v25  }
0x14e: {  	vm2 =	vlt.f32 v39, v5  }
0x14f: {  	v6 =	vsel vm2, $0x3F800000, v1  }
0x150: {  	(xrf0) =	vmax.scan.msk.f32 $0xffff, v6;
	_ =	sdelay $0x5  }
0x151: {  	v6, _, _ =	vpop (xrf0)  }
0x152: {  	(v2sf) =	vpush v6, $0xF;
	_ =	sdelay $0xe  }
0x153: {  	s11 =	spop (v2sf)  }
0x154: {  	p1 =	sgt.f32 s11, $0.0e+00;
	_ =	sdelay $0x1  }
0x155: {  	vm9 =	vlt.f32 @p1 v39, v24  }
0x156: {  	v6 =	vsel @p1 vm9, v24, v39  }
0x157: {  	v7 =	vpsel p2, v54, v57;
	vm10 =	vlt.f32 @p1 v6, v20  }
0x158: {  	v7 =	vpsel p0, v7, v31;
	v31 =	vsel @!p2 vm1, v58, v50;
	v25 =	vsel @p1 vm10, v20, v6  }
0x159: {  	v31 =	vpsel p2, v50, v31;
	vm2 =	vlt.f32 @p1 v25, v7  }
0x15a: {  	v2 =	vsel @!p2 vm3, v2, v34;
	v30 =	vpsel p0, v31, v30;
	v50 =	vsel @p1 vm2, v7, v25  }
0x15b: {  	s10 =	sadd.s32 $0x1, s10;
	v2 =	vpsel p2, v34, v2;
	v42 =	vsel @!p2 vm0, v56, v48;
	vm11 =	vlt.f32 @p1 v50, v26  }
0x15c: {  	v42 =	vpsel p2, v48, v42;
	v48 =	vmov s10;
	v54 =	vsel @p1 vm11, v26, v50  }
0x15d: {  	v31 =	vand.u32 $0x7F, v48;
	v60 =	vshll.u32 v48, $0x3;
	vm13 =	vlt.f32 @p1 v54, v30  }
0x15e: {  	v29 =	vpsel p0, v42, v29;
	v56 =	vand.u32 $0xFFFFFC00, v60;
	v42 =	vsel @p1 vm13, v30, v54  }
0x15f: {  	v3 =	vsel @!p2 vm4, v3, v47;
	v31 =	vor.u32 v31, v56;
	vm1 =	vlt.f32 @p1 v42, v29  }
0x160: {  	v2 =	vpsel p0, v2, v27;
	v31 =	vadd.s32 v0, v31;
	v34 =	vsel @p1 vm1, v29, v42  }
0x161: {  	v3 =	vpsel p2, v47, v3;
	vm12 =	vlt.f32 @p1 v34, v2  }
0x162: {  	v4 =	vsel @!p2 vm5, v4, v45;
	v3 =	vpsel p0, v3, v23;
	v27 =	vsel @p1 vm12, v2, v34  }
0x163: {  	v4 =	vpsel p2, v45, v4;
	vm14 =	vlt.f32 @p1 v27, v3  }
0x164: {  	v4 =	vpsel p0, v4, v21;
	v45 =	vsel @p1 vm14, v3, v27  }
0x165: {  	v21 =	vld.idx.msk [tilespmem:v31+s29+$0x0], $0xffff;
	vm7 =	vlt.f32 @p1 v45, v4  }
0x166: {  	v23 =	vsel @p1 vm7, v4, v45  }
0x167: {  	vm8 =	vlt.f32 @p1 v23, v5  }
0x168: {  	v23 =	vsel @p1 vm8, v23, v5  }
0x169: {  	v23 =	vpsel p1, v23, v5  }
0x16a: {  	vm15 =	vlt.f32 v21, v23  }
0x16b: {  	v61 =	vsel vm15, $0x3F800000, v1  }
0x16c: {  	v46 =	vpsel p2, v46, v51;
	(xrf0) =	vmax.scan.msk.f32 $0xffff, v61  }
0x16d: {  	v51 =	vsel @!p2 vm0, v53, v36;
	v43 =	vpsel p2, v43, v49;
	v44 =	vpsel p2, v44, v55  }
0x16e: {  	v41 =	vpsel p2, v41, v52;
	v22 =	vpsel p0, v46, v22;
	v18 =	vpsel p0, v43, v18  }
0x16f: {  	v17 =	vpsel p0, v44, v17;
	v31 =	vsel @!p2 vm0, v36, v53;
	v36 =	vpsel p2, v36, v51  }
0x170: {  	v19 =	vpsel p0, v41, v19;
	v16 =	vpsel p0, v36, v16;
	v33 =	vadd.s32 @p1 v32, v33  }
0x171: {  	v46 =	vsel @p1 vm9, v28, v33;
	v33 =	vsel @p1 vm9, v33, v28;
	v39 =	vsel @p1 vm9, v39, v24  }
0x172: {  	v28 =	vpsel p1, v33, v28;
	v24 =	vpsel p1, v39, v24;
	v53 =	vsel @p1 vm10, v46, v22;
	v62, _, _ =	vpop (xrf0)  }
0x173: {  	v46 =	vsel @p1 vm10, v22, v46;
	v6 =	vsel @p1 vm10, v6, v20;
	(v2sf) =	vpush v62, $0xF  }
0x174: {  	v22 =	vpsel p1, v53, v22;
	v6 =	vpsel p1, v6, v20;
	v25 =	vsel @p1 vm2, v25, v7  }
0x175: {  	v43 =	vsel @p1 vm2, v18, v46;
	v46 =	vsel @p1 vm2, v46, v18;
	v7 =	vpsel p1, v25, v7  }
0x176: {  	v41 =	vsel @p1 vm11, v17, v43;
	v44 =	vsel @p1 vm11, v50, v26;
	v43 =	vsel @p1 vm11, v43, v17  }
0x177: {  	v49 =	vsel @p1 vm13, v19, v41;
	v41 =	vsel @p1 vm13, v41, v19;
	v50 =	vsel @p1 vm13, v54, v30  }
0x178: {  	v17 =	vpsel p1, v43, v17;
	v19 =	vpsel p1, v41, v19;
	v30 =	vpsel p1, v50, v30  }
0x179: {  	v36 =	vsel @p1 vm1, v16, v49;
	v27 =	vsel @p1 vm14, v27, v3;
	v5 =	vsel @!p2 vm3, v37, v31  }
0x17a: {  	v3 =	vpsel p1, v27, v3;
	v31 =	vsel @!p2 vm3, v31, v37;
	v47 =	vsel @!p2 vm4, v40, v5  }
0x17b: {  	v5 =	vsel @!p2 vm4, v5, v40;
	v31 =	vpsel p2, v37, v31;
	v37 =	vsel @p1 vm1, v49, v16  }
0x17c: {  	v56 =	vsel @!p2 vm5, v35, v47;
	v47 =	vsel @!p2 vm5, v47, v35;
	v5 =	vpsel p2, v40, v5  }
0x17d: {  	v15 =	vpsel p0, v31, v15;
	v31 =	vsel @p1 vm12, v34, v2;
	v16 =	vpsel p1, v37, v16  }
0x17e: {  	v56 =	vsel @!p2 vm6, v56, v38;
	v34 =	vsel @p1 vm12, v15, v36;
	v5 =	vpsel p0, v5, v14  }
0x17f: {  	v14 =	vsel @p1 vm12, v36, v15;
	v35 =	vpsel p2, v35, v47;
	v2 =	vpsel p1, v31, v2  }
0x180: {  	v31 =	vsel @p1 vm7, v45, v4;
	v36 =	vsel @p1 vm14, v34, v5;
	v34 =	vsel @p1 vm14, v5, v34  }
0x181: {  	v63 =	vpsel p2, v38, v56;
	v38 =	vsel @p1 vm1, v42, v29;
	v13 =	vpsel p0, v35, v13  }
0x182: {  	v15 =	vpsel p1, v14, v15;
	v14 =	vpsel p1, v46, v18;
	v18 =	vpsel p1, v44, v26;
	s21 =	spop (v2sf)  }
0x183: {  	v4 =	vpsel p1, v31, v4;
	v35 =	vsel @p1 vm7, v13, v34;
	v12 =	vpsel p0, v63, v12;
	p0 =	sgt.f32 s21, $0.0e+00  }
0x184: {  	v34 =	vsel @p1 vm7, v34, v13;
	v5 =	vpsel p1, v36, v5;
	v27 =	vpsel p1, v38, v29  }
0x185: {  	v35 =	vsel @p1 vm8, v35, v12;
	v20 =	vadd.s32 @p0 v32, v48;
	vm0 =	vlt.f32 @p0 v21, v24  }
0x186: {  	v13 =	vpsel p1, v34, v13;
	v25 =	vsel @p0 vm0, v24, v21;
	v26 =	vsel @p0 vm0, v28, v20  }
0x187: {  	v21 =	vsel @p0 vm0, v21, v24;
	v29 =	vsel @p0 vm0, v20, v28;
	vm0 =	vlt.f32 @p0 v25, v6  }
0x188: {  	v12 =	vpsel p1, v35, v12;
	v20 =	vsel @p0 vm0, v25, v6;
	v25 =	vsel @p0 vm0, v6, v25  }
0x189: {  	v32 =	vsel @p0 vm0, v22, v26;
	v33 =	vsel @p0 vm0, v26, v22;
	vm0 =	vlt.f32 @p0 v25, v7  }
0x18a: {  	v20 =	vpsel p0, v20, v6;
	v6 =	vsel @p0 vm0, v25, v7;
	v25 =	vsel @p0 vm0, v7, v25  }
0x18b: {  	v26 =	vsel @p0 vm0, v14, v32;
	v32 =	vsel @p0 vm0, v32, v14;
	vm0 =	vlt.f32 @p0 v25, v18  }
0x18c: {  	v28 =	vpsel p0, v29, v28;
	v24 =	vpsel p0, v21, v24;
	v29 =	vsel @p0 vm0, v18, v25  }
0x18d: {  	v22 =	vpsel p0, v33, v22;
	v31 =	vpsel p0, v6, v7;
	vm1 =	vlt.f32 @p0 v29, v30  }
0x18e: {  	v34 =	vsel @p0 vm0, v17, v26;
	v21 =	vsel @p0 vm0, v25, v18;
	v35 =	vsel @p0 vm1, v30, v29  }
0x18f: {  	v25 =	vsel @p0 vm0, v26, v17;
	v26 =	vpsel p0, v21, v18;
	vm0 =	vlt.f32 @p0 v35, v27  }
0x190: {  	v18 =	vpsel p0, v32, v14;
	v17 =	vpsel p0, v25, v17;
	v21 =	vsel @p0 vm0, v27, v35  }
0x191: {  	v36 =	vsel @p0 vm1, v19, v34;
	v34 =	vsel @p0 vm1, v34, v19;
	vm2 =	vlt.f32 @p0 v21, v2  }
0x192: {  	v6 =	vsel @p0 vm0, v16, v36;
	v7 =	vsel @p0 vm2, v21, v2;
	v14 =	vsel @p0 vm2, v2, v21  }
0x193: {  	v32 =	vsel @p0 vm2, v6, v15;
	v6 =	vsel @p0 vm2, v15, v6;
	vm2 =	vlt.f32 @p0 v14, v3  }
0x194: {  	v19 =	vpsel p0, v34, v19;
	v21 =	vsel @p0 vm1, v29, v30;
	v25 =	vsel @p0 vm2, v3, v14  }
0x195: {  	v30 =	vpsel p0, v21, v30;
	v15 =	vpsel p0, v32, v15;
	vm1 =	vlt.f32 @p0 v25, v4  }
0x196: {  	v29 =	vsel @p0 vm2, v5, v6;
	v6 =	vsel @p0 vm2, v6, v5;
	v21 =	vsel @p0 vm1, v25, v4  }
0x197: {  	v25 =	vsel @p0 vm1, v4, v25;
	v33 =	vsel @p0 vm1, v13, v29;
	v37 =	vsel @p0 vm1, v29, v13  }
0x198: {  	vm1 =	vlt.f32 @p0 v25, v23;
	v21 =	vpsel p0, v21, v4;
	v4 =	vsel @p0 vm2, v14, v3  }
0x199: {  	v13 =	vpsel p0, v37, v13;
	v14 =	vsel @p0 vm1, v25, v23;
	v29 =	vsel @p0 vm1, v33, v12  }
0x19a: {  	v25 =	vpsel p0, v14, v23;
	v14 =	vpsel p0, v6, v5;
	v12 =	vpsel p0, v29, v12  }
0x19b: {  	v23 =	vpsel p0, v4, v3;
	v3 =	vsel @p0 vm0, v35, v27;
	v4 =	vsel @p0 vm0, v36, v16  }
0x19c: {  	v29 =	vpsel p0, v3, v27;
	v27 =	vpsel p0, v7, v2;
	v16 =	vpsel p0, v4, v16  }
.LBB2_11:
0x19d: {  	s9 =	sand.u32 $0x1, s9  }
0x19e: {  	p0 =	seq.s32 s9, $0x0  }
.Ltmp12:
0x19f: {  	_ = 	snop;
	(pc) =	sbr.rel @p0 .LBB2_13-.Ltmp12, $1  }
0x1a0: {  	_ =	sdelay $0x3  }
0x1a1: {  	s9 =	sxor.u32 $0xFFFFFFFF, s6  }
0x1a2: {  	s8 =	sadd.s32 s9, s8  }
0x1a3: {  	v2 =	vmov s8  }
0x1a4: {  	v3 =	vshll.u32 v2, $0x3  }
0x1a5: {  	v2 =	vand.u32 $0x7F, v2;
	v3 =	vand.u32 $0xFFFFFC00, v3  }
0x1a6: {  	v2 =	vor.u32 v2, v3  }
0x1a7: {  	v2 =	vadd.s32 v0, v2;
	_ =	sdelay $0x4  }
0x1a8: {  	v2 =	vld.idx.msk [tilespmem:v2+s29+$0x0], $0xffff;
	_ =	sdelay $0x4  }
0x1a9: {  	vm0 =	vlt.f32 v2, v25  }
0x1aa: {  	v3 =	vsel vm0, $0x3F800000, v1  }
0x1ab: {  	(xrf0) =	vmax.scan.msk.f32 $0xffff, v3;
	_ =	sdelay $0x5  }
0x1ac: {  	v3, _, _ =	vpop (xrf0)  }
0x1ad: {  	(v2sf) =	vpush v3, $0xF;
	_ =	sdelay $0xe  }
0x1ae: {  	s21 =	spop (v2sf)  }
0x1af: {  	p0 =	sgt.f32 s21, $0.0e+00;
	_ =	sdelay $0x1  }
0x1b0: {  	vm0 =	vlt.f32 @p0 v2, v24  }
0x1b1: {  	s6 =	sadd.s32 @p0 s6, s8;
	v3 =	vsel @p0 vm0, v24, v2  }
0x1b2: {  	v2 =	vsel @p0 vm0, v2, v24;
	v6 =	vsel @p0 vm0, s6, v28;
	v7 =	vnsel @p0 vm0, s6, v28  }
0x1b3: {  	vm1 =	vlt.f32 @p0 v3, v20;
	v24 =	vpsel p0, v2, v24;
	v28 =	vpsel p0, v6, v28  }
0x1b4: {  	v4 =	vsel @p0 vm1, v20, v3;
	v3 =	vsel @p0 vm1, v3, v20;
	v33 =	vsel @p0 vm1, v7, v22  }
0x1b5: {  	v7 =	vsel @p0 vm1, v22, v7;
	vm2 =	vlt.f32 @p0 v4, v31;
	v20 =	vpsel p0, v3, v20  }
0x1b6: {  	v22 =	vpsel p0, v33, v22;
	v5 =	vsel @p0 vm2, v31, v4;
	v4 =	vsel @p0 vm2, v4, v31  }
0x1b7: {  	v35 =	vsel @p0 vm2, v7, v18;
	v7 =	vsel @p0 vm2, v18, v7;
	vm3 =	vlt.f32 @p0 v5, v26  }
0x1b8: {  	v31 =	vpsel p0, v4, v31;
	v18 =	vpsel p0, v35, v18;
	v32 =	vsel @p0 vm3, v26, v5  }
0x1b9: {  	v5 =	vsel @p0 vm3, v5, v26;
	v36 =	vsel @p0 vm3, v7, v17;
	v7 =	vsel @p0 vm3, v17, v7  }
0x1ba: {  	vm0 =	vlt.f32 @p0 v32, v30;
	v26 =	vpsel p0, v5, v26;
	v17 =	vpsel p0, v36, v17  }
0x1bb: {  	v34 =	vsel @p0 vm0, v30, v32;
	v32 =	vsel @p0 vm0, v32, v30;
	v38 =	vsel @p0 vm0, v7, v19  }
0x1bc: {  	v7 =	vsel @p0 vm0, v19, v7;
	vm1 =	vlt.f32 @p0 v34, v29;
	v30 =	vpsel p0, v32, v30  }
0x1bd: {  	v19 =	vpsel p0, v38, v19;
	v37 =	vsel @p0 vm1, v29, v34;
	v34 =	vsel @p0 vm1, v34, v29  }
0x1be: {  	v40 =	vsel @p0 vm1, v7, v16;
	v7 =	vsel @p0 vm1, v16, v7;
	vm2 =	vlt.f32 @p0 v37, v27  }
0x1bf: {  	v29 =	vpsel p0, v34, v29;
	v16 =	vpsel p0, v40, v16;
	v39 =	vsel @p0 vm2, v27, v37  }
0x1c0: {  	v37 =	vsel @p0 vm2, v37, v27;
	v42 =	vsel @p0 vm2, v7, v15;
	v7 =	vsel @p0 vm2, v15, v7  }
0x1c1: {  	vm0 =	vlt.f32 @p0 v39, v23;
	v27 =	vpsel p0, v37, v27;
	v15 =	vpsel p0, v42, v15  }
0x1c2: {  	v41 =	vsel @p0 vm0, v23, v39;
	v39 =	vsel @p0 vm0, v39, v23;
	v43 =	vsel @p0 vm0, v7, v14  }
.Ltmp13:
0x1c3: {  	v7 =	vsel @p0 vm0, v14, v7;
	vm1 =	vlt.f32 @p0 v41, v21;
	v23 =	vpsel p0, v39, v23;
	(pc) =	sbr.rel .LBB2_13-.Ltmp13, $4  }
0x1c4: {  	v14 =	vpsel p0, v43, v14;
	v44 =	vsel @p0 vm1, v21, v41;
	v41 =	vsel @p0 vm1, v41, v21  }
0x1c5: {  	v45 =	vsel @p0 vm1, v7, v13;
	v7 =	vsel @p0 vm1, v13, v7;
	vm0 =	vlt.f32 @p0 v44, v25  }
0x1c6: {  	v21 =	vpsel p0, v41, v21;
	v44 =	vsel @p0 vm0, v44, v25;
	v7 =	vsel @p0 vm0, v7, v12  }
0x1c7: {  	v13 =	vpsel p0, v45, v13;
	v25 =	vpsel p0, v44, v25;
	v12 =	vpsel p0, v7, v12  }
.LBB2_7:
.Ltmp14:
0x1c8: {  	(pc) =	sbr.rel .LBB2_10-.Ltmp14, $2  }
0x1c9: {  	_ =	sdelay $0x2  }
0x1ca: {  	_ = 	snop  }
.LBB2_17:
0x1cb: {  	_ =	sfence.sel $0x180000  }
0x1cc: {  	[bflag:$0x0] =	sbarrier.arrive $0xFFFF  }
0x1cd: {  	_ =	strace $0x90000047  }
0x1ce: {  	s0 =	stileid.u32;
	[bflag:$0x2] =	sbarrier.arrive $0xFFFF  }
0x1cf: {  	p0 =	sne.s32 s0, $0x0;
	s0 =	rddreg [dreg:$0x2]  }
0x1d0: {  	s0 =	sadd.s32 @!p0 $0x100000, s0  }
0x1d1: {  	[sflag:s0] =	ssyncadd.tile.s32 @!p0 $0x1;
	_ =	shalt  }
.Lfunc_end2:
_tile_overlayer_lowered:
.L_overlay_start_2:
0x1d2: {  	(tag) =	ssettag $0x2  }
0x1d3: {  	s0 =	rddreg [dreg:$0x0];
	s2 =	stileid.u32  }
0x1d4: {  	s1 =	rddreg [dreg:$0x1];
	p0 =	sne.s32 s2, $0x0  }
0x1d5: {  	s3 =	rddreg [dreg:$0x2];
	[bflag:$0x3] =	sbarrier.arrive $0xFFFF;
	s2 =	simm.s32 @!p0 $0x1C01  }
0x1d6: {  	[timem:s3], [sflag:s2] =	dma.local @!p0 [hbm:s0], s1  }
0x1d7: {  	s0 =	simm.s32 @!p0 $0x1  }
0x1d8: {  	_ =	swait.ge @!p0 [sflag:s0], s1  }
0x1d9: {  	s1 =	ssub.s32 @!p0 $0x0, s1;
	[sflag:s0] =	ssyncset.done @!p0 $0x0  }
0x1da: {  	[sflag:s0] =	ssyncadd.s32 @!p0 s1  }
0x1db: {  	[bflag:$0x3] =	sbarrier.arrive $0xFFFF  }
0x1dc: {  	_ =	shalt  }

</sc_bundles>
